<compile_context>
chip_gen: v7x
topology: tpu7x:2x2x1
jax: 0.10.2.dev20260603
libtpu: 0.0.44.dev20260713+nightly
codegen_flags: <defaults>
</compile_context>

<pallas_src>
import functools

import jax
import jax.numpy as jnp
from jax import lax
from jax.experimental import pallas as pl
from jax.experimental.pallas import tpu as pltpu
from jax.experimental.pallas import tpu_sc as plsc

_NC = 2
_NS = 16
_NW = _NC * _NS
_L = 16
_NB = 16


def kernel(x, hex_idx):
    n_fine, feat = x.shape
    num_nodes = (n_fine + 6) // 4
    k = hex_idx.shape[1]
    idx_blk = _NB * k
    row_blk = idx_blk * feat
    out_blk = _NB * feat

    n_main = (num_nodes // _NB) * _NB
    n_tail = num_nodes - n_main
    bpw = (n_main // _NB) // _NW
    assert (n_main // _NB) % _NW == 0 and bpw % 2 == 0

    hx = hex_idx.reshape(-1)

    mesh = plsc.VectorSubcoreMesh(
        core_axis_name="c", subcore_axis_name="s",
        num_cores=_NC, num_subcores=_NS,
    )

    @functools.partial(
        pl.kernel,
        out_type=jax.ShapeDtypeStruct((num_nodes, feat), jnp.float32),
        mesh=mesh,
        scratch_types=[
            pltpu.VMEM((bpw * idx_blk,), jnp.int32),
            pltpu.VMEM((idx_blk, feat), jnp.float32),
            pltpu.VMEM((idx_blk, feat), jnp.float32),
            pltpu.VMEM((_NB, feat), jnp.float32),
            pltpu.VMEM((_NB, feat), jnp.float32),
            pltpu.SemaphoreType.DMA,
            pltpu.SemaphoreType.DMA,
            pltpu.SemaphoreType.DMA,
            pltpu.SemaphoreType.DMA,
        ],
        compiler_params=pltpu.CompilerParams(
            use_tc_tiling_on_sc=True, needs_layout_passes=False),
    )
    def body(x_hbm, hx_hbm, out_hbm, idx_all, rows0, rows1, out0, out1,
             gsem0, gsem1, ssem0, ssem1):
        wid = lax.axis_index("s") * _NC + lax.axis_index("c")
        lane = lax.iota(jnp.int32, _L)
        blk0 = wid * bpw

        def g_copy(b, rows, gsem):
            return pltpu.make_async_copy(
                x_hbm.at[idx_all.at[pl.ds(b * idx_blk, idx_blk)]],
                rows, gsem)

        def s_copy(b, out_v, ssem):
            return pltpu.make_async_copy(
                out_v, out_hbm.at[pl.ds((blk0 + b) * _NB, _NB)], ssem)

        klane = k * lane

        def compute(rows, out_v, nodes=_NB):
            def outer(v, carry):
                p0 = (k * _L) * v + klane
                rc = [(lax.shift_right_logical(p0 + t, 8),
                       lax.bitwise_and(p0 + t, 255)) for t in range(k)]

                def inner(n, c2):
                    kn = k * n
                    acc = None
                    for r0, c0 in rc:
                        vv = plsc.load_gather(rows, [r0 + kn, c0])
                        acc = vv if acc is None else jnp.maximum(acc, vv)
                    out_v[n, pl.ds(v * _L, _L)] = acc
                    return c2
                lax.fori_loop(0, nodes, inner, 0, unroll=4)
                return carry
            lax.fori_loop(0, _L, outer, 0)

        pltpu.sync_copy(hx_hbm.at[pl.ds(blk0 * idx_blk, bpw * idx_blk)],
                        idx_all)
        g_copy(0, rows0, gsem0).start()

        def half(b, rows, out_v, gsem, ssem, m):
            g_copy(b, rows, gsem).wait()

            @pl.when(m >= 1)
            def _():
                s_copy(b, out_v, ssem).wait()
            compute(rows, out_v)
            s_copy(b, out_v, ssem).start()

        def pair(m, carry):
            b0 = 2 * m
            g_copy(b0 + 1, rows1, gsem1).start()
            half(b0, rows0, out0, gsem0, ssem0, m)

            @pl.when(m < bpw // 2 - 1)
            def _():
                g_copy(b0 + 2, rows0, gsem0).start()
            half(b0 + 1, rows1, out1, gsem1, ssem1, m)
            return carry

        lax.fori_loop(0, bpw // 2, pair, 0)
        s_copy(bpw - 2, out0, ssem0).wait()
        s_copy(bpw - 1, out1, ssem1).wait()

        if n_tail:
            @pl.when(wid == 0)
            def _tail():
                tidx = n_tail * k
                pltpu.sync_copy(hx_hbm.at[pl.ds(n_main * k, tidx)],
                                idx_all.at[pl.ds(0, tidx)])
                iv = idx_all[pl.ds(0, _L)]
                idx_all[pl.ds(0, _L)] = jnp.where(lane < tidx, iv, 0)
                pltpu.async_copy(
                    x_hbm.at[idx_all.at[pl.ds(0, _L)]],
                    rows0.at[pl.ds(0, _L)], gsem0).wait()
                compute(rows0, out0, nodes=n_tail)
                pltpu.sync_copy(out0.at[pl.ds(0, n_tail)],
                                out_hbm.at[pl.ds(n_main, n_tail)])

    return body(x, hx)

# --- scband reference (transcript-rebuilt; emitter-appended) ---
"""Pipeline reference for scband-hex-pooling-max-32968168964589 (READ-ONLY COPY).

The authoritative reference and input builder live on the scoring server;
editing this copy changes nothing except your own understanding.
"""

import jax, jax.numpy as jnp
import numpy as np

N_FINE = 163842
FEAT = 256


def setup_inputs(seed: int = 0) -> dict:
    key = jax.random.key(seed)
    k1, k2 = jax.random.split(key)
    num_nodes = (N_FINE + 6) // 4
    x = jax.random.normal(k1, (N_FINE, FEAT), dtype=jnp.float32)
    # hex neighborhood table: for each coarse node, 7 fine-level vertex indices
    # (self + 6 hexagonal neighbors on the icosahedral mesh). Random in-range
    # indices are a faithful stand-in for the precomputed mesh topology buffer.
    hex_idx = jax.random.randint(k2, (num_nodes, 7), 0, N_FINE, dtype=jnp.int32)
    return {"x": x, "hex_idx": hex_idx}


def reference(x, hex_idx):
    num_nodes = (x.shape[0] + 6) // 4
    feat_num = x.shape[1]
    # gather: [num_nodes, 7, feat] then torch-style .view to [num_nodes, feat, 7]
    g = jnp.take(x, hex_idx[:num_nodes], axis=0)
    g = g.reshape(num_nodes, feat_num, 7)
    out = jnp.max(g, axis=2)
    assert out.shape == (num_nodes, feat_num)
    return out

if __name__ == "__main__":
    import jax
    _d = setup_inputs()
    print(jax.jit(kernel)(*tuple(_d.values())))

</pallas_src>

<mosaic_0001>
#map = affine_map<(d0, d1) -> (0, 0)>
#map1 = affine_map<(d0, d1) -> (0)>
module attributes {stable_mosaic.version = 14 : i64} {
  func.func @body(%arg0: i32, %arg1: i32, %arg2: memref<163842x256xf32, #tpu.memory_space<hbm>>, %arg3: memref<286734xi32, #tpu.memory_space<hbm>>, %arg4: memref<40962x256xf32, #tpu.memory_space<hbm>>, %arg5: memref<8960xi32, #tpu.memory_space<vmem>>, %arg6: memref<112x256xf32, #tpu.memory_space<vmem>>, %arg7: memref<112x256xf32, #tpu.memory_space<vmem>>, %arg8: memref<16x256xf32, #tpu.memory_space<vmem>>, %arg9: memref<16x256xf32, #tpu.memory_space<vmem>>, %arg10: memref<!tpu.dma_semaphore, #tpu.memory_space<semaphore_mem>>, %arg11: memref<!tpu.dma_semaphore, #tpu.memory_space<semaphore_mem>>, %arg12: memref<!tpu.dma_semaphore, #tpu.memory_space<semaphore_mem>>, %arg13: memref<!tpu.dma_semaphore, #tpu.memory_space<semaphore_mem>>) attributes {dimension_semantics = [#tpu.dimension_semantics<core_parallel>, #tpu.dimension_semantics<subcore_parallel>], iteration_bounds = array<i64: 2, 16>, scalar_prefetch = 0 : i64, scratch_operands = 9 : i64, tpu.core_type = #tpu.core_type<sc_vector_subcore>, window_params = [{transform_indices = #map}, {transform_indices = #map1}, {transform_indices = #map}]} {
    %mul3A = arith.constant 2 : i32
    %mul3A_0 = arith.muli %arg1, %mul3A : i32
    %add3A = arith.addi %mul3A_0, %arg0 : i32
    %iota3A = tpu.iota {dimensions = array<i32: 0>} : vector<16xi32>
    %mul3A_1 = arith.constant 80 : i32
    %mul3A_2 = arith.muli %add3A, %mul3A_1 : i32
    %mul3A_3 = arith.constant 7 : i32
    %mul3A_4 = vector.broadcast %mul3A_3 : i32 to vector<16xi32>
    %mul3A_5 = arith.muli %mul3A_4, %iota3A : vector<16xi32>
    %mul3A_6 = arith.constant 112 : i32
    %mul3A_7 = arith.muli %mul3A_2, %mul3A_6 : i32
    "tpu.region"() ({
      %run_scoped3A = tpu.sem_alloc : memref<!tpu.dma_semaphore, #tpu.memory_space<semaphore_mem>>
      %dma_start3A_34 = tpu.memref_slice %arg3[%mul3A_7] : memref<286734xi32, #tpu.memory_space<hbm>> -> memref<8960xi32, #tpu.memory_space<hbm>>
      %dma_start3A_35 = tpu.memref_slice %arg3[%mul3A_7] : memref<286734xi32, #tpu.memory_space<hbm>> -> memref<8960xi32, #tpu.memory_space<hbm>>
      tpu.enqueue_dma source(%dma_start3A_35 : memref<8960xi32, #tpu.memory_space<hbm>>) target(%arg5 : memref<8960xi32, #tpu.memory_space<vmem>>) target_semaphore(%run_scoped3A : memref<!tpu.dma_semaphore, #tpu.memory_space<semaphore_mem>>)
      %dma_wait3A_36 = tpu.memref_slice %arg3[%mul3A_7] : memref<286734xi32, #tpu.memory_space<hbm>> -> memref<8960xi32, #tpu.memory_space<hbm>>
      %dma_wait3A_37 = tpu.memref_slice %arg3[%mul3A_7] : memref<286734xi32, #tpu.memory_space<hbm>> -> memref<8960xi32, #tpu.memory_space<hbm>>
      tpu.wait_dma2 semaphore(%run_scoped3A : memref<!tpu.dma_semaphore, #tpu.memory_space<semaphore_mem>>) src(%dma_wait3A_37 : memref<8960xi32, #tpu.memory_space<hbm>>) dst(%arg5 : memref<8960xi32, #tpu.memory_space<vmem>>)
      tpu.yield
    }) : () -> ()
    %dma_start3A = arith.constant 0 : i32
    %dma_start3A_8 = tpu.memref_slice %arg5[%dma_start3A] : memref<8960xi32, #tpu.memory_space<vmem>> -> memref<112xi32, #tpu.memory_space<vmem>>
    %dma_start3A_9 = arith.constant 0 : i32
    %dma_start3A_10 = arith.constant 0 : i32
    %dma_start3A_11 = tpu.memref_slice %arg2[%dma_start3A_9, %dma_start3A_10] : memref<163842x256xf32, #tpu.memory_space<hbm>> -> memref<163842x256xf32, #tpu.memory_space<hbm>>
    tpu.enqueue_indirect_dma source(%dma_start3A_11 : memref<163842x256xf32, #tpu.memory_space<hbm>>) target(%arg6 : memref<112x256xf32, #tpu.memory_space<vmem>>) offsets(%dma_start3A_8 : memref<112xi32, #tpu.memory_space<vmem>>) semaphore(%arg10 : memref<!tpu.dma_semaphore, #tpu.memory_space<semaphore_mem>>)
    %scan3A = arith.constant 0 : i32
    %scan3A_12 = arith.constant 0 : i32
    %scan3A_13 = arith.constant 40 : i32
    %scan3A_14 = arith.addi %scan3A_12, %scan3A_13 : i32
    %scan3A_15 = arith.constant 1 : i32
    scf.for %scan3A_34 = %scan3A_12 to %scan3A_14 step %scan3A_15  : i32 {
      %mul3A_35 = arith.constant 2 : i32
      %mul3A_36 = arith.muli %mul3A_35, %scan3A_34 : i32
      %add3A_37 = arith.constant 1 : i32
      %add3A_38 = arith.addi %mul3A_36, %add3A_37 : i32
      %mul3A_39 = arith.constant 112 : i32
      %mul3A_40 = arith.muli %add3A_38, %mul3A_39 : i32
      %dma_start3A_41 = tpu.memref_slice %arg5[%mul3A_40] : memref<8960xi32, #tpu.memory_space<vmem>> -> memref<112xi32, #tpu.memory_space<vmem>>
      %dma_start3A_42 = arith.constant 0 : i32
      %dma_start3A_43 = arith.constant 0 : i32
      %dma_start3A_44 = tpu.memref_slice %arg2[%dma_start3A_42, %dma_start3A_43] : memref<163842x256xf32, #tpu.memory_space<hbm>> -> memref<163842x256xf32, #tpu.memory_space<hbm>>
      tpu.enqueue_indirect_dma source(%dma_start3A_44 : memref<163842x256xf32, #tpu.memory_space<hbm>>) target(%arg7 : memref<112x256xf32, #tpu.memory_space<vmem>>) offsets(%dma_start3A_41 : memref<112xi32, #tpu.memory_space<vmem>>) semaphore(%arg11 : memref<!tpu.dma_semaphore, #tpu.memory_space<semaphore_mem>>)
      %mul3A_45 = arith.constant 112 : i32
      %mul3A_46 = arith.muli %mul3A_36, %mul3A_45 : i32
      %dma_wait3A_47 = tpu.memref_slice %arg5[%mul3A_46] : memref<8960xi32, #tpu.memory_space<vmem>> -> memref<112xi32, #tpu.memory_space<vmem>>
      %dma_wait3A_48 = arith.constant 0 : i32
      %dma_wait3A_49 = arith.constant 0 : i32
      %dma_wait3A_50 = tpu.memref_slice %arg2[%dma_wait3A_48, %dma_wait3A_49] : memref<163842x256xf32, #tpu.memory_space<hbm>> -> memref<163842x256xf32, #tpu.memory_space<hbm>>
      tpu.wait_indirect_dma semaphore(%arg10 : memref<!tpu.dma_semaphore, #tpu.memory_space<semaphore_mem>>) src(%dma_wait3A_50 : memref<163842x256xf32, #tpu.memory_space<hbm>>) dst(%arg6 : memref<112x256xf32, #tpu.memory_space<vmem>>)
      %ge3A = arith.constant 1 : i32
      %ge3A_51 = arith.cmpi sge, %scan3A_34, %ge3A : i32
      %convert_element_type3A_52 = arith.extui %ge3A_51 : i1 to i32
      %cond3A_53 = arith.constant 0 : i32
      %cond3A_54 = arith.cmpi ne, %convert_element_type3A_52, %cond3A_53 : i32
      scf.if %cond3A_54 {
        %add3A_98 = arith.addi %mul3A_2, %mul3A_36 : i32
        %mul3A_99 = arith.constant 16 : i32
        %mul3A_100 = arith.muli %add3A_98, %mul3A_99 : i32
        %dma_wait3A_101 = arith.constant 0 : i32
        %dma_wait3A_102 = tpu.memref_slice %arg4[%mul3A_100, %dma_wait3A_101] : memref<40962x256xf32, #tpu.memory_space<hbm>> -> memref<16x256xf32, #tpu.memory_space<hbm>>
        %dma_wait3A_103 = arith.constant 0 : i32
        %dma_wait3A_104 = tpu.memref_slice %arg4[%mul3A_100, %dma_wait3A_103] : memref<40962x256xf32, #tpu.memory_space<hbm>> -> memref<16x256xf32, #tpu.memory_space<hbm>>
        tpu.wait_dma2 semaphore(%arg12 : memref<!tpu.dma_semaphore, #tpu.memory_space<semaphore_mem>>) src(%arg8 : memref<16x256xf32, #tpu.memory_space<vmem>>) dst(%dma_wait3A_104 : memref<16x256xf32, #tpu.memory_space<hbm>>)
      } else {
      }
      %scan3A_55 = arith.constant 0 : i32
      %scan3A_56 = arith.constant 0 : i32
      %scan3A_57 = arith.constant 16 : i32
      %scan3A_58 = arith.addi %scan3A_56, %scan3A_57 : i32
      %scan3A_59 = arith.constant 1 : i32
      scf.for %scan3A_98 = %scan3A_56 to %scan3A_58 step %scan3A_59  : i32 {
        %mul3A_99 = arith.constant 112 : i32
        %mul3A_100 = arith.muli %mul3A_99, %scan3A_98 : i32
        %add3A_101 = vector.broadcast %mul3A_100 : i32 to vector<16xi32>
        %add3A_102 = arith.addi %add3A_101, %mul3A_5 : vector<16xi32>
        %add3A_103 = arith.constant 0 : i32
        %add3A_104 = vector.broadcast %add3A_103 : i32 to vector<16xi32>
        %add3A_105 = arith.addi %add3A_102, %add3A_104 : vector<16xi32>
        %shift_right_logical3A = arith.constant 8 : i32
        %shift_right_logical3A_106 = vector.broadcast %shift_right_logical3A : i32 to vector<16xi32>
        %shift_right_logical3A_107 = arith.shrui %add3A_105, %shift_right_logical3A_106 : vector<16xi32>
        %add3A_108 = arith.constant 0 : i32
        %add3A_109 = vector.broadcast %add3A_108 : i32 to vector<16xi32>
        %add3A_110 = arith.addi %add3A_102, %add3A_109 : vector<16xi32>
        %and3A = arith.constant 255 : i32
        %and3A_111 = vector.broadcast %and3A : i32 to vector<16xi32>
        %and3A_112 = arith.andi %add3A_110, %and3A_111 : vector<16xi32>
        %add3A_113 = arith.constant 1 : i32
        %add3A_114 = vector.broadcast %add3A_113 : i32 to vector<16xi32>
        %add3A_115 = arith.addi %add3A_102, %add3A_114 : vector<16xi32>
        %shift_right_logical3A_116 = arith.constant 8 : i32
        %shift_right_logical3A_117 = vector.broadcast %shift_right_logical3A_116 : i32 to vector<16xi32>
        %shift_right_logical3A_118 = arith.shrui %add3A_115, %shift_right_logical3A_117 : vector<16xi32>
        %add3A_119 = arith.constant 1 : i32
        %add3A_120 = vector.broadcast %add3A_119 : i32 to vector<16xi32>
        %add3A_121 = arith.addi %add3A_102, %add3A_120 : vector<16xi32>
        %and3A_122 = arith.constant 255 : i32
        %and3A_123 = vector.broadcast %and3A_122 : i32 to vector<16xi32>
        %and3A_124 = arith.andi %add3A_121, %and3A_123 : vector<16xi32>
        %add3A_125 = arith.constant 2 : i32
        %add3A_126 = vector.broadcast %add3A_125 : i32 to vector<16xi32>
        %add3A_127 = arith.addi %add3A_102, %add3A_126 : vector<16xi32>
        %shift_right_logical3A_128 = arith.constant 8 : i32
        %shift_right_logical3A_129 = vector.broadcast %shift_right_logical3A_128 : i32 to vector<16xi32>
        %shift_right_logical3A_130 = arith.shrui %add3A_127, %shift_right_logical3A_129 : vector<16xi32>
        %add3A_131 = arith.constant 2 : i32
        %add3A_132 = vector.broadcast %add3A_131 : i32 to vector<16xi32>
        %add3A_133 = arith.addi %add3A_102, %add3A_132 : vector<16xi32>
        %and3A_134 = arith.constant 255 : i32
        %and3A_135 = vector.broadcast %and3A_134 : i32 to vector<16xi32>
        %and3A_136 = arith.andi %add3A_133, %and3A_135 : vector<16xi32>
        %add3A_137 = arith.constant 3 : i32
        %add3A_138 = vector.broadcast %add3A_137 : i32 to vector<16xi32>
        %add3A_139 = arith.addi %add3A_102, %add3A_138 : vector<16xi32>
        %shift_right_logical3A_140 = arith.constant 8 : i32
        %shift_right_logical3A_141 = vector.broadcast %shift_right_logical3A_140 : i32 to vector<16xi32>
        %shift_right_logical3A_142 = arith.shrui %add3A_139, %shift_right_logical3A_141 : vector<16xi32>
        %add3A_143 = arith.constant 3 : i32
        %add3A_144 = vector.broadcast %add3A_143 : i32 to vector<16xi32>
        %add3A_145 = arith.addi %add3A_102, %add3A_144 : vector<16xi32>
        %and3A_146 = arith.constant 255 : i32
        %and3A_147 = vector.broadcast %and3A_146 : i32 to vector<16xi32>
        %and3A_148 = arith.andi %add3A_145, %and3A_147 : vector<16xi32>
        %add3A_149 = arith.constant 4 : i32
        %add3A_150 = vector.broadcast %add3A_149 : i32 to vector<16xi32>
        %add3A_151 = arith.addi %add3A_102, %add3A_150 : vector<16xi32>
        %shift_right_logical3A_152 = arith.constant 8 : i32
        %shift_right_logical3A_153 = vector.broadcast %shift_right_logical3A_152 : i32 to vector<16xi32>
        %shift_right_logical3A_154 = arith.shrui %add3A_151, %shift_right_logical3A_153 : vector<16xi32>
        %add3A_155 = arith.constant 4 : i32
        %add3A_156 = vector.broadcast %add3A_155 : i32 to vector<16xi32>
        %add3A_157 = arith.addi %add3A_102, %add3A_156 : vector<16xi32>
        %and3A_158 = arith.constant 255 : i32
        %and3A_159 = vector.broadcast %and3A_158 : i32 to vector<16xi32>
        %and3A_160 = arith.andi %add3A_157, %and3A_159 : vector<16xi32>
        %add3A_161 = arith.constant 5 : i32
        %add3A_162 = vector.broadcast %add3A_161 : i32 to vector<16xi32>
        %add3A_163 = arith.addi %add3A_102, %add3A_162 : vector<16xi32>
        %shift_right_logical3A_164 = arith.constant 8 : i32
        %shift_right_logical3A_165 = vector.broadcast %shift_right_logical3A_164 : i32 to vector<16xi32>
        %shift_right_logical3A_166 = arith.shrui %add3A_163, %shift_right_logical3A_165 : vector<16xi32>
        %add3A_167 = arith.constant 5 : i32
        %add3A_168 = vector.broadcast %add3A_167 : i32 to vector<16xi32>
        %add3A_169 = arith.addi %add3A_102, %add3A_168 : vector<16xi32>
        %and3A_170 = arith.constant 255 : i32
        %and3A_171 = vector.broadcast %and3A_170 : i32 to vector<16xi32>
        %and3A_172 = arith.andi %add3A_169, %and3A_171 : vector<16xi32>
        %add3A_173 = arith.constant 6 : i32
        %add3A_174 = vector.broadcast %add3A_173 : i32 to vector<16xi32>
        %add3A_175 = arith.addi %add3A_102, %add3A_174 : vector<16xi32>
        %shift_right_logical3A_176 = arith.constant 8 : i32
        %shift_right_logical3A_177 = vector.broadcast %shift_right_logical3A_176 : i32 to vector<16xi32>
        %shift_right_logical3A_178 = arith.shrui %add3A_175, %shift_right_logical3A_177 : vector<16xi32>
        %add3A_179 = arith.constant 6 : i32
        %add3A_180 = vector.broadcast %add3A_179 : i32 to vector<16xi32>
        %add3A_181 = arith.addi %add3A_102, %add3A_180 : vector<16xi32>
        %and3A_182 = arith.constant 255 : i32
        %and3A_183 = vector.broadcast %and3A_182 : i32 to vector<16xi32>
        %and3A_184 = arith.andi %add3A_181, %and3A_183 : vector<16xi32>
        %scan3A_185 = arith.constant 0 : i32
        %scan3A_186 = arith.constant 0 : i32
        %scan3A_187 = arith.constant 16 : i32
        %scan3A_188 = arith.addi %scan3A_186, %scan3A_187 : i32
        %scan3A_189 = arith.constant 4 : i32
        scf.for %scan3A_191 = %scan3A_186 to %scan3A_188 step %scan3A_189  : i32 {
          %mul3A_192 = arith.constant 7 : i32
          %mul3A_193 = arith.muli %mul3A_192, %scan3A_191 : i32
          %add3A_194 = vector.broadcast %mul3A_193 : i32 to vector<16xi32>
          %add3A_195 = arith.addi %shift_right_logical3A_107, %add3A_194 : vector<16xi32>
          %gather3A = tpu.vector_load_idx %arg6[%add3A_195, %and3A_112] : memref<112x256xf32, #tpu.memory_space<vmem>>[vector<16xi32>, vector<16xi32>], vector<16xf32>,
          %add3A_196 = vector.broadcast %mul3A_193 : i32 to vector<16xi32>
          %add3A_197 = arith.addi %shift_right_logical3A_118, %add3A_196 : vector<16xi32>
          %gather3A_198 = tpu.vector_load_idx %arg6[%add3A_197, %and3A_124] : memref<112x256xf32, #tpu.memory_space<vmem>>[vector<16xi32>, vector<16xi32>], vector<16xf32>,
          %max3A = arith.maximumf %gather3A, %gather3A_198 : vector<16xf32>
          %add3A_199 = vector.broadcast %mul3A_193 : i32 to vector<16xi32>
          %add3A_200 = arith.addi %shift_right_logical3A_130, %add3A_199 : vector<16xi32>
          %gather3A_201 = tpu.vector_load_idx %arg6[%add3A_200, %and3A_136] : memref<112x256xf32, #tpu.memory_space<vmem>>[vector<16xi32>, vector<16xi32>], vector<16xf32>,
          %max3A_202 = arith.maximumf %max3A, %gather3A_201 : vector<16xf32>
          %add3A_203 = vector.broadcast %mul3A_193 : i32 to vector<16xi32>
          %add3A_204 = arith.addi %shift_right_logical3A_142, %add3A_203 : vector<16xi32>
          %gather3A_205 = tpu.vector_load_idx %arg6[%add3A_204, %and3A_148] : memref<112x256xf32, #tpu.memory_space<vmem>>[vector<16xi32>, vector<16xi32>], vector<16xf32>,
          %max3A_206 = arith.maximumf %max3A_202, %gather3A_205 : vector<16xf32>
          %add3A_207 = vector.broadcast %mul3A_193 : i32 to vector<16xi32>
          %add3A_208 = arith.addi %shift_right_logical3A_154, %add3A_207 : vector<16xi32>
          %gather3A_209 = tpu.vector_load_idx %arg6[%add3A_208, %and3A_160] : memref<112x256xf32, #tpu.memory_space<vmem>>[vector<16xi32>, vector<16xi32>], vector<16xf32>,
          %max3A_210 = arith.maximumf %max3A_206, %gather3A_209 : vector<16xf32>
          %add3A_211 = vector.broadcast %mul3A_193 : i32 to vector<16xi32>
          %add3A_212 = arith.addi %shift_right_logical3A_166, %add3A_211 : vector<16xi32>
          %gather3A_213 = tpu.vector_load_idx %arg6[%add3A_212, %and3A_172] : memref<112x256xf32, #tpu.memory_space<vmem>>[vector<16xi32>, vector<16xi32>], vector<16xf32>,
          %max3A_214 = arith.maximumf %max3A_210, %gather3A_213 : vector<16xf32>
          %add3A_215 = vector.broadcast %mul3A_193 : i32 to vector<16xi32>
          %add3A_216 = arith.addi %shift_right_logical3A_178, %add3A_215 : vector<16xi32>
          %gather3A_217 = tpu.vector_load_idx %arg6[%add3A_216, %and3A_184] : memref<112x256xf32, #tpu.memory_space<vmem>>[vector<16xi32>, vector<16xi32>], vector<16xf32>,
          %max3A_218 = arith.maximumf %max3A_214, %gather3A_217 : vector<16xf32>
          %mul3A_219 = arith.constant 16 : i32
          %mul3A_220 = arith.muli %scan3A_98, %mul3A_219 : i32
          %swap3A = arith.index_cast %scan3A_191 : i32 to index
          %swap3A_221 = arith.index_cast %mul3A_220 : i32 to index
          %swap3A_222 = tpu.vector_load %arg8[%swap3A, %swap3A_221] {strides = array<i32>} : memref<16x256xf32, #tpu.memory_space<vmem>>, vector<16xf32>,
          tpu.vector_store %arg8[%swap3A, %swap3A_221], %max3A_218 {strides = array<i32>} : memref<16x256xf32, #tpu.memory_space<vmem>>, vector<16xf32>,
          %scan3A_223 = arith.constant 1 : i32
          %scan3A_224 = arith.addi %scan3A_191, %scan3A_223 : i32
          %mul3A_225 = arith.constant 7 : i32
          %mul3A_226 = arith.muli %mul3A_225, %scan3A_224 : i32
          %add3A_227 = vector.broadcast %mul3A_226 : i32 to vector<16xi32>
          %add3A_228 = arith.addi %shift_right_logical3A_107, %add3A_227 : vector<16xi32>
          %gather3A_229 = tpu.vector_load_idx %arg6[%add3A_228, %and3A_112] : memref<112x256xf32, #tpu.memory_space<vmem>>[vector<16xi32>, vector<16xi32>], vector<16xf32>,
          %add3A_230 = vector.broadcast %mul3A_226 : i32 to vector<16xi32>
          %add3A_231 = arith.addi %shift_right_logical3A_118, %add3A_230 : vector<16xi32>
          %gather3A_232 = tpu.vector_load_idx %arg6[%add3A_231, %and3A_124] : memref<112x256xf32, #tpu.memory_space<vmem>>[vector<16xi32>, vector<16xi32>], vector<16xf32>,
          %max3A_233 = arith.maximumf %gather3A_229, %gather3A_232 : vector<16xf32>
          %add3A_234 = vector.broadcast %mul3A_226 : i32 to vector<16xi32>
          %add3A_235 = arith.addi %shift_right_logical3A_130, %add3A_234 : vector<16xi32>
          %gather3A_236 = tpu.vector_load_idx %arg6[%add3A_235, %and3A_136] : memref<112x256xf32, #tpu.memory_space<vmem>>[vector<16xi32>, vector<16xi32>], vector<16xf32>,
          %max3A_237 = arith.maximumf %max3A_233, %gather3A_236 : vector<16xf32>
          %add3A_238 = vector.broadcast %mul3A_226 : i32 to vector<16xi32>
          %add3A_239 = arith.addi %shift_right_logical3A_142, %add3A_238 : vector<16xi32>
          %gather3A_240 = tpu.vector_load_idx %arg6[%add3A_239, %and3A_148] : memref<112x256xf32, #tpu.memory_space<vmem>>[vector<16xi32>, vector<16xi32>], vector<16xf32>,
          %max3A_241 = arith.maximumf %max3A_237, %gather3A_240 : vector<16xf32>
          %add3A_242 = vector.broadcast %mul3A_226 : i32 to vector<16xi32>
          %add3A_243 = arith.addi %shift_right_logical3A_154, %add3A_242 : vector<16xi32>
          %gather3A_244 = tpu.vector_load_idx %arg6[%add3A_243, %and3A_160] : memref<112x256xf32, #tpu.memory_space<vmem>>[vector<16xi32>, vector<16xi32>], vector<16xf32>,
          %max3A_245 = arith.maximumf %max3A_241, %gather3A_244 : vector<16xf32>
          %add3A_246 = vector.broadcast %mul3A_226 : i32 to vector<16xi32>
          %add3A_247 = arith.addi %shift_right_logical3A_166, %add3A_246 : vector<16xi32>
          %gather3A_248 = tpu.vector_load_idx %arg6[%add3A_247, %and3A_172] : memref<112x256xf32, #tpu.memory_space<vmem>>[vector<16xi32>, vector<16xi32>], vector<16xf32>,
          %max3A_249 = arith.maximumf %max3A_245, %gather3A_248 : vector<16xf32>
          %add3A_250 = vector.broadcast %mul3A_226 : i32 to vector<16xi32>
          %add3A_251 = arith.addi %shift_right_logical3A_178, %add3A_250 : vector<16xi32>
          %gather3A_252 = tpu.vector_load_idx %arg6[%add3A_251, %and3A_184] : memref<112x256xf32, #tpu.memory_space<vmem>>[vector<16xi32>, vector<16xi32>], vector<16xf32>,
          %max3A_253 = arith.maximumf %max3A_249, %gather3A_252 : vector<16xf32>
          %mul3A_254 = arith.constant 16 : i32
          %mul3A_255 = arith.muli %scan3A_98, %mul3A_254 : i32
          %swap3A_256 = arith.index_cast %scan3A_224 : i32 to index
          %swap3A_257 = arith.index_cast %mul3A_255 : i32 to index
          %swap3A_258 = tpu.vector_load %arg8[%swap3A_256, %swap3A_257] {strides = array<i32>} : memref<16x256xf32, #tpu.memory_space<vmem>>, vector<16xf32>,
          tpu.vector_store %arg8[%swap3A_256, %swap3A_257], %max3A_253 {strides = array<i32>} : memref<16x256xf32, #tpu.memory_space<vmem>>, vector<16xf32>,
          %scan3A_259 = arith.constant 2 : i32
          %scan3A_260 = arith.addi %scan3A_191, %scan3A_259 : i32
          %mul3A_261 = arith.constant 7 : i32
          %mul3A_262 = arith.muli %mul3A_261, %scan3A_260 : i32
          %add3A_263 = vector.broadcast %mul3A_262 : i32 to vector<16xi32>
          %add3A_264 = arith.addi %shift_right_logical3A_107, %add3A_263 : vector<16xi32>
          %gather3A_265 = tpu.vector_load_idx %arg6[%add3A_264, %and3A_112] : memref<112x256xf32, #tpu.memory_space<vmem>>[vector<16xi32>, vector<16xi32>], vector<16xf32>,
          %add3A_266 = vector.broadcast %mul3A_262 : i32 to vector<16xi32>
          %add3A_267 = arith.addi %shift_right_logical3A_118, %add3A_266 : vector<16xi32>
          %gather3A_268 = tpu.vector_load_idx %arg6[%add3A_267, %and3A_124] : memref<112x256xf32, #tpu.memory_space<vmem>>[vector<16xi32>, vector<16xi32>], vector<16xf32>,
          %max3A_269 = arith.maximumf %gather3A_265, %gather3A_268 : vector<16xf32>
          %add3A_270 = vector.broadcast %mul3A_262 : i32 to vector<16xi32>
          %add3A_271 = arith.addi %shift_right_logical3A_130, %add3A_270 : vector<16xi32>
          %gather3A_272 = tpu.vector_load_idx %arg6[%add3A_271, %and3A_136] : memref<112x256xf32, #tpu.memory_space<vmem>>[vector<16xi32>, vector<16xi32>], vector<16xf32>,
          %max3A_273 = arith.maximumf %max3A_269, %gather3A_272 : vector<16xf32>
          %add3A_274 = vector.broadcast %mul3A_262 : i32 to vector<16xi32>
          %add3A_275 = arith.addi %shift_right_logical3A_142, %add3A_274 : vector<16xi32>
          %gather3A_276 = tpu.vector_load_idx %arg6[%add3A_275, %and3A_148] : memref<112x256xf32, #tpu.memory_space<vmem>>[vector<16xi32>, vector<16xi32>], vector<16xf32>,
          %max3A_277 = arith.maximumf %max3A_273, %gather3A_276 : vector<16xf32>
          %add3A_278 = vector.broadcast %mul3A_262 : i32 to vector<16xi32>
          %add3A_279 = arith.addi %shift_right_logical3A_154, %add3A_278 : vector<16xi32>
          %gather3A_280 = tpu.vector_load_idx %arg6[%add3A_279, %and3A_160] : memref<112x256xf32, #tpu.memory_space<vmem>>[vector<16xi32>, vector<16xi32>], vector<16xf32>,
          %max3A_281 = arith.maximumf %max3A_277, %gather3A_280 : vector<16xf32>
          %add3A_282 = vector.broadcast %mul3A_262 : i32 to vector<16xi32>
          %add3A_283 = arith.addi %shift_right_logical3A_166, %add3A_282 : vector<16xi32>
          %gather3A_284 = tpu.vector_load_idx %arg6[%add3A_283, %and3A_172] : memref<112x256xf32, #tpu.memory_space<vmem>>[vector<16xi32>, vector<16xi32>], vector<16xf32>,
          %max3A_285 = arith.maximumf %max3A_281, %gather3A_284 : vector<16xf32>
          %add3A_286 = vector.broadcast %mul3A_262 : i32 to vector<16xi32>
          %add3A_287 = arith.addi %shift_right_logical3A_178, %add3A_286 : vector<16xi32>
          %gather3A_288 = tpu.vector_load_idx %arg6[%add3A_287, %and3A_184] : memref<112x256xf32, #tpu.memory_space<vmem>>[vector<16xi32>, vector<16xi32>], vector<16xf32>,
          %max3A_289 = arith.maximumf %max3A_285, %gather3A_288 : vector<16xf32>
          %mul3A_290 = arith.constant 16 : i32
          %mul3A_291 = arith.muli %scan3A_98, %mul3A_290 : i32
          %swap3A_292 = arith.index_cast %scan3A_260 : i32 to index
          %swap3A_293 = arith.index_cast %mul3A_291 : i32 to index
          %swap3A_294 = tpu.vector_load %arg8[%swap3A_292, %swap3A_293] {strides = array<i32>} : memref<16x256xf32, #tpu.memory_space<vmem>>, vector<16xf32>,
          tpu.vector_store %arg8[%swap3A_292, %swap3A_293], %max3A_289 {strides = array<i32>} : memref<16x256xf32, #tpu.memory_space<vmem>>, vector<16xf32>,
          %scan3A_295 = arith.constant 3 : i32
          %scan3A_296 = arith.addi %scan3A_191, %scan3A_295 : i32
          %mul3A_297 = arith.constant 7 : i32
          %mul3A_298 = arith.muli %mul3A_297, %scan3A_296 : i32
          %add3A_299 = vector.broadcast %mul3A_298 : i32 to vector<16xi32>
          %add3A_300 = arith.addi %shift_right_logical3A_107, %add3A_299 : vector<16xi32>
          %gather3A_301 = tpu.vector_load_idx %arg6[%add3A_300, %and3A_112] : memref<112x256xf32, #tpu.memory_space<vmem>>[vector<16xi32>, vector<16xi32>], vector<16xf32>,
          %add3A_302 = vector.broadcast %mul3A_298 : i32 to vector<16xi32>
          %add3A_303 = arith.addi %shift_right_logical3A_118, %add3A_302 : vector<16xi32>
          %gather3A_304 = tpu.vector_load_idx %arg6[%add3A_303, %and3A_124] : memref<112x256xf32, #tpu.memory_space<vmem>>[vector<16xi32>, vector<16xi32>], vector<16xf32>,
          %max3A_305 = arith.maximumf %gather3A_301, %gather3A_304 : vector<16xf32>
          %add3A_306 = vector.broadcast %mul3A_298 : i32 to vector<16xi32>
          %add3A_307 = arith.addi %shift_right_logical3A_130, %add3A_306 : vector<16xi32>
          %gather3A_308 = tpu.vector_load_idx %arg6[%add3A_307, %and3A_136] : memref<112x256xf32, #tpu.memory_space<vmem>>[vector<16xi32>, vector<16xi32>], vector<16xf32>,
          %max3A_309 = arith.maximumf %max3A_305, %gather3A_308 : vector<16xf32>
          %add3A_310 = vector.broadcast %mul3A_298 : i32 to vector<16xi32>
          %add3A_311 = arith.addi %shift_right_logical3A_142, %add3A_310 : vector<16xi32>
          %gather3A_312 = tpu.vector_load_idx %arg6[%add3A_311, %and3A_148] : memref<112x256xf32, #tpu.memory_space<vmem>>[vector<16xi32>, vector<16xi32>], vector<16xf32>,
          %max3A_313 = arith.maximumf %max3A_309, %gather3A_312 : vector<16xf32>
          %add3A_314 = vector.broadcast %mul3A_298 : i32 to vector<16xi32>
          %add3A_315 = arith.addi %shift_right_logical3A_154, %add3A_314 : vector<16xi32>
          %gather3A_316 = tpu.vector_load_idx %arg6[%add3A_315, %and3A_160] : memref<112x256xf32, #tpu.memory_space<vmem>>[vector<16xi32>, vector<16xi32>], vector<16xf32>,
          %max3A_317 = arith.maximumf %max3A_313, %gather3A_316 : vector<16xf32>
          %add3A_318 = vector.broadcast %mul3A_298 : i32 to vector<16xi32>
          %add3A_319 = arith.addi %shift_right_logical3A_166, %add3A_318 : vector<16xi32>
          %gather3A_320 = tpu.vector_load_idx %arg6[%add3A_319, %and3A_172] : memref<112x256xf32, #tpu.memory_space<vmem>>[vector<16xi32>, vector<16xi32>], vector<16xf32>,
          %max3A_321 = arith.maximumf %max3A_317, %gather3A_320 : vector<16xf32>
          %add3A_322 = vector.broadcast %mul3A_298 : i32 to vector<16xi32>
          %add3A_323 = arith.addi %shift_right_logical3A_178, %add3A_322 : vector<16xi32>
          %gather3A_324 = tpu.vector_load_idx %arg6[%add3A_323, %and3A_184] : memref<112x256xf32, #tpu.memory_space<vmem>>[vector<16xi32>, vector<16xi32>], vector<16xf32>,
          %max3A_325 = arith.maximumf %max3A_321, %gather3A_324 : vector<16xf32>
          %mul3A_326 = arith.constant 16 : i32
          %mul3A_327 = arith.muli %scan3A_98, %mul3A_326 : i32
          %swap3A_328 = arith.index_cast %scan3A_296 : i32 to index
          %swap3A_329 = arith.index_cast %mul3A_327 : i32 to index
          %swap3A_330 = tpu.vector_load %arg8[%swap3A_328, %swap3A_329] {strides = array<i32>} : memref<16x256xf32, #tpu.memory_space<vmem>>, vector<16xf32>,
          tpu.vector_store %arg8[%swap3A_328, %swap3A_329], %max3A_325 {strides = array<i32>} : memref<16x256xf32, #tpu.memory_space<vmem>>, vector<16xf32>,
        }
        %scan3A_190 = arith.constant 16 : i32
      }
      %scan3A_60 = arith.constant 16 : i32
      %add3A_61 = arith.addi %mul3A_2, %mul3A_36 : i32
      %mul3A_62 = arith.constant 16 : i32
      %mul3A_63 = arith.muli %add3A_61, %mul3A_62 : i32
      %dma_start3A_64 = arith.constant 0 : i32
      %dma_start3A_65 = tpu.memref_slice %arg4[%mul3A_63, %dma_start3A_64] : memref<40962x256xf32, #tpu.memory_space<hbm>> -> memref<16x256xf32, #tpu.memory_space<hbm>>
      %dma_start3A_66 = arith.constant 0 : i32
      %dma_start3A_67 = tpu.memref_slice %arg4[%mul3A_63, %dma_start3A_66] : memref<40962x256xf32, #tpu.memory_space<hbm>> -> memref<16x256xf32, #tpu.memory_space<hbm>>
      tpu.enqueue_dma source(%arg8 : memref<16x256xf32, #tpu.memory_space<vmem>>) target(%dma_start3A_67 : memref<16x256xf32, #tpu.memory_space<hbm>>) target_semaphore(%arg12 : memref<!tpu.dma_semaphore, #tpu.memory_space<semaphore_mem>>)
      %lt3A = arith.constant 39 : i32
      %lt3A_68 = arith.cmpi slt, %scan3A_34, %lt3A : i32
      %convert_element_type3A_69 = arith.extui %lt3A_68 : i1 to i32
      %cond3A_70 = arith.constant 0 : i32
      %cond3A_71 = arith.cmpi ne, %convert_element_type3A_69, %cond3A_70 : i32
      scf.if %cond3A_71 {
        %add3A_98 = arith.constant 2 : i32
        %add3A_99 = arith.addi %mul3A_36, %add3A_98 : i32
        %mul3A_100 = arith.constant 112 : i32
        %mul3A_101 = arith.muli %add3A_99, %mul3A_100 : i32
        %dma_start3A_102 = tpu.memref_slice %arg5[%mul3A_101] : memref<8960xi32, #tpu.memory_space<vmem>> -> memref<112xi32, #tpu.memory_space<vmem>>
        %dma_start3A_103 = arith.constant 0 : i32
        %dma_start3A_104 = arith.constant 0 : i32
        %dma_start3A_105 = tpu.memref_slice %arg2[%dma_start3A_103, %dma_start3A_104] : memref<163842x256xf32, #tpu.memory_space<hbm>> -> memref<163842x256xf32, #tpu.memory_space<hbm>>
        tpu.enqueue_indirect_dma source(%dma_start3A_105 : memref<163842x256xf32, #tpu.memory_space<hbm>>) target(%arg6 : memref<112x256xf32, #tpu.memory_space<vmem>>) offsets(%dma_start3A_102 : memref<112xi32, #tpu.memory_space<vmem>>) semaphore(%arg10 : memref<!tpu.dma_semaphore, #tpu.memory_space<semaphore_mem>>)
      } else {
      }
      %add3A_72 = arith.constant 1 : i32
      %add3A_73 = arith.addi %mul3A_36, %add3A_72 : i32
      %mul3A_74 = arith.constant 112 : i32
      %mul3A_75 = arith.muli %add3A_73, %mul3A_74 : i32
      %dma_wait3A_76 = tpu.memref_slice %arg5[%mul3A_75] : memref<8960xi32, #tpu.memory_space<vmem>> -> memref<112xi32, #tpu.memory_space<vmem>>
      %dma_wait3A_77 = arith.constant 0 : i32
      %dma_wait3A_78 = arith.constant 0 : i32
      %dma_wait3A_79 = tpu.memref_slice %arg2[%dma_wait3A_77, %dma_wait3A_78] : memref<163842x256xf32, #tpu.memory_space<hbm>> -> memref<163842x256xf32, #tpu.memory_space<hbm>>
      tpu.wait_indirect_dma semaphore(%arg11 : memref<!tpu.dma_semaphore, #tpu.memory_space<semaphore_mem>>) src(%dma_wait3A_79 : memref<163842x256xf32, #tpu.memory_space<hbm>>) dst(%arg7 : memref<112x256xf32, #tpu.memory_space<vmem>>)
      %ge3A_80 = arith.constant 1 : i32
      %ge3A_81 = arith.cmpi sge, %scan3A_34, %ge3A_80 : i32
      %convert_element_type3A_82 = arith.extui %ge3A_81 : i1 to i32
      %cond3A_83 = arith.constant 0 : i32
      %cond3A_84 = arith.cmpi ne, %convert_element_type3A_82, %cond3A_83 : i32
      scf.if %cond3A_84 {
        %add3A_98 = arith.addi %mul3A_2, %add3A_73 : i32
        %mul3A_99 = arith.constant 16 : i32
        %mul3A_100 = arith.muli %add3A_98, %mul3A_99 : i32
        %dma_wait3A_101 = arith.constant 0 : i32
        %dma_wait3A_102 = tpu.memref_slice %arg4[%mul3A_100, %dma_wait3A_101] : memref<40962x256xf32, #tpu.memory_space<hbm>> -> memref<16x256xf32, #tpu.memory_space<hbm>>
        %dma_wait3A_103 = arith.constant 0 : i32
        %dma_wait3A_104 = tpu.memref_slice %arg4[%mul3A_100, %dma_wait3A_103] : memref<40962x256xf32, #tpu.memory_space<hbm>> -> memref<16x256xf32, #tpu.memory_space<hbm>>
        tpu.wait_dma2 semaphore(%arg13 : memref<!tpu.dma_semaphore, #tpu.memory_space<semaphore_mem>>) src(%arg9 : memref<16x256xf32, #tpu.memory_space<vmem>>) dst(%dma_wait3A_104 : memref<16x256xf32, #tpu.memory_space<hbm>>)
      } else {
      }
      %scan3A_85 = arith.constant 0 : i32
      %scan3A_86 = arith.constant 0 : i32
      %scan3A_87 = arith.constant 16 : i32
      %scan3A_88 = arith.addi %scan3A_86, %scan3A_87 : i32
      %scan3A_89 = arith.constant 1 : i32
      scf.for %scan3A_98 = %scan3A_86 to %scan3A_88 step %scan3A_89  : i32 {
        %mul3A_99 = arith.constant 112 : i32
        %mul3A_100 = arith.muli %mul3A_99, %scan3A_98 : i32
        %add3A_101 = vector.broadcast %mul3A_100 : i32 to vector<16xi32>
        %add3A_102 = arith.addi %add3A_101, %mul3A_5 : vector<16xi32>
        %add3A_103 = arith.constant 0 : i32
        %add3A_104 = vector.broadcast %add3A_103 : i32 to vector<16xi32>
        %add3A_105 = arith.addi %add3A_102, %add3A_104 : vector<16xi32>
        %shift_right_logical3A = arith.constant 8 : i32
        %shift_right_logical3A_106 = vector.broadcast %shift_right_logical3A : i32 to vector<16xi32>
        %shift_right_logical3A_107 = arith.shrui %add3A_105, %shift_right_logical3A_106 : vector<16xi32>
        %add3A_108 = arith.constant 0 : i32
        %add3A_109 = vector.broadcast %add3A_108 : i32 to vector<16xi32>
        %add3A_110 = arith.addi %add3A_102, %add3A_109 : vector<16xi32>
        %and3A = arith.constant 255 : i32
        %and3A_111 = vector.broadcast %and3A : i32 to vector<16xi32>
        %and3A_112 = arith.andi %add3A_110, %and3A_111 : vector<16xi32>
        %add3A_113 = arith.constant 1 : i32
        %add3A_114 = vector.broadcast %add3A_113 : i32 to vector<16xi32>
        %add3A_115 = arith.addi %add3A_102, %add3A_114 : vector<16xi32>
        %shift_right_logical3A_116 = arith.constant 8 : i32
        %shift_right_logical3A_117 = vector.broadcast %shift_right_logical3A_116 : i32 to vector<16xi32>
        %shift_right_logical3A_118 = arith.shrui %add3A_115, %shift_right_logical3A_117 : vector<16xi32>
        %add3A_119 = arith.constant 1 : i32
        %add3A_120 = vector.broadcast %add3A_119 : i32 to vector<16xi32>
        %add3A_121 = arith.addi %add3A_102, %add3A_120 : vector<16xi32>
        %and3A_122 = arith.constant 255 : i32
        %and3A_123 = vector.broadcast %and3A_122 : i32 to vector<16xi32>
        %and3A_124 = arith.andi %add3A_121, %and3A_123 : vector<16xi32>
        %add3A_125 = arith.constant 2 : i32
        %add3A_126 = vector.broadcast %add3A_125 : i32 to vector<16xi32>
        %add3A_127 = arith.addi %add3A_102, %add3A_126 : vector<16xi32>
        %shift_right_logical3A_128 = arith.constant 8 : i32
        %shift_right_logical3A_129 = vector.broadcast %shift_right_logical3A_128 : i32 to vector<16xi32>
        %shift_right_logical3A_130 = arith.shrui %add3A_127, %shift_right_logical3A_129 : vector<16xi32>
        %add3A_131 = arith.constant 2 : i32
        %add3A_132 = vector.broadcast %add3A_131 : i32 to vector<16xi32>
        %add3A_133 = arith.addi %add3A_102, %add3A_132 : vector<16xi32>
        %and3A_134 = arith.constant 255 : i32
        %and3A_135 = vector.broadcast %and3A_134 : i32 to vector<16xi32>
        %and3A_136 = arith.andi %add3A_133, %and3A_135 : vector<16xi32>
        %add3A_137 = arith.constant 3 : i32
        %add3A_138 = vector.broadcast %add3A_137 : i32 to vector<16xi32>
        %add3A_139 = arith.addi %add3A_102, %add3A_138 : vector<16xi32>
        %shift_right_logical3A_140 = arith.constant 8 : i32
        %shift_right_logical3A_141 = vector.broadcast %shift_right_logical3A_140 : i32 to vector<16xi32>
        %shift_right_logical3A_142 = arith.shrui %add3A_139, %shift_right_logical3A_141 : vector<16xi32>
        %add3A_143 = arith.constant 3 : i32
        %add3A_144 = vector.broadcast %add3A_143 : i32 to vector<16xi32>
        %add3A_145 = arith.addi %add3A_102, %add3A_144 : vector<16xi32>
        %and3A_146 = arith.constant 255 : i32
        %and3A_147 = vector.broadcast %and3A_146 : i32 to vector<16xi32>
        %and3A_148 = arith.andi %add3A_145, %and3A_147 : vector<16xi32>
        %add3A_149 = arith.constant 4 : i32
        %add3A_150 = vector.broadcast %add3A_149 : i32 to vector<16xi32>
        %add3A_151 = arith.addi %add3A_102, %add3A_150 : vector<16xi32>
        %shift_right_logical3A_152 = arith.constant 8 : i32
        %shift_right_logical3A_153 = vector.broadcast %shift_right_logical3A_152 : i32 to vector<16xi32>
        %shift_right_logical3A_154 = arith.shrui %add3A_151, %shift_right_logical3A_153 : vector<16xi32>
        %add3A_155 = arith.constant 4 : i32
        %add3A_156 = vector.broadcast %add3A_155 : i32 to vector<16xi32>
        %add3A_157 = arith.addi %add3A_102, %add3A_156 : vector<16xi32>
        %and3A_158 = arith.constant 255 : i32
        %and3A_159 = vector.broadcast %and3A_158 : i32 to vector<16xi32>
        %and3A_160 = arith.andi %add3A_157, %and3A_159 : vector<16xi32>
        %add3A_161 = arith.constant 5 : i32
        %add3A_162 = vector.broadcast %add3A_161 : i32 to vector<16xi32>
        %add3A_163 = arith.addi %add3A_102, %add3A_162 : vector<16xi32>
        %shift_right_logical3A_164 = arith.constant 8 : i32
        %shift_right_logical3A_165 = vector.broadcast %shift_right_logical3A_164 : i32 to vector<16xi32>
        %shift_right_logical3A_166 = arith.shrui %add3A_163, %shift_right_logical3A_165 : vector<16xi32>
        %add3A_167 = arith.constant 5 : i32
        %add3A_168 = vector.broadcast %add3A_167 : i32 to vector<16xi32>
        %add3A_169 = arith.addi %add3A_102, %add3A_168 : vector<16xi32>
        %and3A_170 = arith.constant 255 : i32
        %and3A_171 = vector.broadcast %and3A_170 : i32 to vector<16xi32>
        %and3A_172 = arith.andi %add3A_169, %and3A_171 : vector<16xi32>
        %add3A_173 = arith.constant 6 : i32
        %add3A_174 = vector.broadcast %add3A_173 : i32 to vector<16xi32>
        %add3A_175 = arith.addi %add3A_102, %add3A_174 : vector<16xi32>
        %shift_right_logical3A_176 = arith.constant 8 : i32
        %shift_right_logical3A_177 = vector.broadcast %shift_right_logical3A_176 : i32 to vector<16xi32>
        %shift_right_logical3A_178 = arith.shrui %add3A_175, %shift_right_logical3A_177 : vector<16xi32>
        %add3A_179 = arith.constant 6 : i32
        %add3A_180 = vector.broadcast %add3A_179 : i32 to vector<16xi32>
        %add3A_181 = arith.addi %add3A_102, %add3A_180 : vector<16xi32>
        %and3A_182 = arith.constant 255 : i32
        %and3A_183 = vector.broadcast %and3A_182 : i32 to vector<16xi32>
        %and3A_184 = arith.andi %add3A_181, %and3A_183 : vector<16xi32>
        %scan3A_185 = arith.constant 0 : i32
        %scan3A_186 = arith.constant 0 : i32
        %scan3A_187 = arith.constant 16 : i32
        %scan3A_188 = arith.addi %scan3A_186, %scan3A_187 : i32
        %scan3A_189 = arith.constant 4 : i32
        scf.for %scan3A_191 = %scan3A_186 to %scan3A_188 step %scan3A_189  : i32 {
          %mul3A_192 = arith.constant 7 : i32
          %mul3A_193 = arith.muli %mul3A_192, %scan3A_191 : i32
          %add3A_194 = vector.broadcast %mul3A_193 : i32 to vector<16xi32>
          %add3A_195 = arith.addi %shift_right_logical3A_107, %add3A_194 : vector<16xi32>
          %gather3A = tpu.vector_load_idx %arg7[%add3A_195, %and3A_112] : memref<112x256xf32, #tpu.memory_space<vmem>>[vector<16xi32>, vector<16xi32>], vector<16xf32>,
          %add3A_196 = vector.broadcast %mul3A_193 : i32 to vector<16xi32>
          %add3A_197 = arith.addi %shift_right_logical3A_118, %add3A_196 : vector<16xi32>
          %gather3A_198 = tpu.vector_load_idx %arg7[%add3A_197, %and3A_124] : memref<112x256xf32, #tpu.memory_space<vmem>>[vector<16xi32>, vector<16xi32>], vector<16xf32>,
          %max3A = arith.maximumf %gather3A, %gather3A_198 : vector<16xf32>
          %add3A_199 = vector.broadcast %mul3A_193 : i32 to vector<16xi32>
          %add3A_200 = arith.addi %shift_right_logical3A_130, %add3A_199 : vector<16xi32>
          %gather3A_201 = tpu.vector_load_idx %arg7[%add3A_200, %and3A_136] : memref<112x256xf32, #tpu.memory_space<vmem>>[vector<16xi32>, vector<16xi32>], vector<16xf32>,
          %max3A_202 = arith.maximumf %max3A, %gather3A_201 : vector<16xf32>
          %add3A_203 = vector.broadcast %mul3A_193 : i32 to vector<16xi32>
          %add3A_204 = arith.addi %shift_right_logical3A_142, %add3A_203 : vector<16xi32>
          %gather3A_205 = tpu.vector_load_idx %arg7[%add3A_204, %and3A_148] : memref<112x256xf32, #tpu.memory_space<vmem>>[vector<16xi32>, vector<16xi32>], vector<16xf32>,
          %max3A_206 = arith.maximumf %max3A_202, %gather3A_205 : vector<16xf32>
          %add3A_207 = vector.broadcast %mul3A_193 : i32 to vector<16xi32>
          %add3A_208 = arith.addi %shift_right_logical3A_154, %add3A_207 : vector<16xi32>
          %gather3A_209 = tpu.vector_load_idx %arg7[%add3A_208, %and3A_160] : memref<112x256xf32, #tpu.memory_space<vmem>>[vector<16xi32>, vector<16xi32>], vector<16xf32>,
          %max3A_210 = arith.maximumf %max3A_206, %gather3A_209 : vector<16xf32>
          %add3A_211 = vector.broadcast %mul3A_193 : i32 to vector<16xi32>
          %add3A_212 = arith.addi %shift_right_logical3A_166, %add3A_211 : vector<16xi32>
          %gather3A_213 = tpu.vector_load_idx %arg7[%add3A_212, %and3A_172] : memref<112x256xf32, #tpu.memory_space<vmem>>[vector<16xi32>, vector<16xi32>], vector<16xf32>,
          %max3A_214 = arith.maximumf %max3A_210, %gather3A_213 : vector<16xf32>
          %add3A_215 = vector.broadcast %mul3A_193 : i32 to vector<16xi32>
          %add3A_216 = arith.addi %shift_right_logical3A_178, %add3A_215 : vector<16xi32>
          %gather3A_217 = tpu.vector_load_idx %arg7[%add3A_216, %and3A_184] : memref<112x256xf32, #tpu.memory_space<vmem>>[vector<16xi32>, vector<16xi32>], vector<16xf32>,
          %max3A_218 = arith.maximumf %max3A_214, %gather3A_217 : vector<16xf32>
          %mul3A_219 = arith.constant 16 : i32
          %mul3A_220 = arith.muli %scan3A_98, %mul3A_219 : i32
          %swap3A = arith.index_cast %scan3A_191 : i32 to index
          %swap3A_221 = arith.index_cast %mul3A_220 : i32 to index
          %swap3A_222 = tpu.vector_load %arg9[%swap3A, %swap3A_221] {strides = array<i32>} : memref<16x256xf32, #tpu.memory_space<vmem>>, vector<16xf32>,
          tpu.vector_store %arg9[%swap3A, %swap3A_221], %max3A_218 {strides = array<i32>} : memref<16x256xf32, #tpu.memory_space<vmem>>, vector<16xf32>,
          %scan3A_223 = arith.constant 1 : i32
          %scan3A_224 = arith.addi %scan3A_191, %scan3A_223 : i32
          %mul3A_225 = arith.constant 7 : i32
          %mul3A_226 = arith.muli %mul3A_225, %scan3A_224 : i32
          %add3A_227 = vector.broadcast %mul3A_226 : i32 to vector<16xi32>
          %add3A_228 = arith.addi %shift_right_logical3A_107, %add3A_227 : vector<16xi32>
          %gather3A_229 = tpu.vector_load_idx %arg7[%add3A_228, %and3A_112] : memref<112x256xf32, #tpu.memory_space<vmem>>[vector<16xi32>, vector<16xi32>], vector<16xf32>,
          %add3A_230 = vector.broadcast %mul3A_226 : i32 to vector<16xi32>
          %add3A_231 = arith.addi %shift_right_logical3A_118, %add3A_230 : vector<16xi32>
          %gather3A_232 = tpu.vector_load_idx %arg7[%add3A_231, %and3A_124] : memref<112x256xf32, #tpu.memory_space<vmem>>[vector<16xi32>, vector<16xi32>], vector<16xf32>,
          %max3A_233 = arith.maximumf %gather3A_229, %gather3A_232 : vector<16xf32>
          %add3A_234 = vector.broadcast %mul3A_226 : i32 to vector<16xi32>
          %add3A_235 = arith.addi %shift_right_logical3A_130, %add3A_234 : vector<16xi32>
          %gather3A_236 = tpu.vector_load_idx %arg7[%add3A_235, %and3A_136] : memref<112x256xf32, #tpu.memory_space<vmem>>[vector<16xi32>, vector<16xi32>], vector<16xf32>,
          %max3A_237 = arith.maximumf %max3A_233, %gather3A_236 : vector<16xf32>
          %add3A_238 = vector.broadcast %mul3A_226 : i32 to vector<16xi32>
          %add3A_239 = arith.addi %shift_right_logical3A_142, %add3A_238 : vector<16xi32>
          %gather3A_240 = tpu.vector_load_idx %arg7[%add3A_239, %and3A_148] : memref<112x256xf32, #tpu.memory_space<vmem>>[vector<16xi32>, vector<16xi32>], vector<16xf32>,
          %max3A_241 = arith.maximumf %max3A_237, %gather3A_240 : vector<16xf32>
          %add3A_242 = vector.broadcast %mul3A_226 : i32 to vector<16xi32>
          %add3A_243 = arith.addi %shift_right_logical3A_154, %add3A_242 : vector<16xi32>
          %gather3A_244 = tpu.vector_load_idx %arg7[%add3A_243, %and3A_160] : memref<112x256xf32, #tpu.memory_space<vmem>>[vector<16xi32>, vector<16xi32>], vector<16xf32>,
          %max3A_245 = arith.maximumf %max3A_241, %gather3A_244 : vector<16xf32>
          %add3A_246 = vector.broadcast %mul3A_226 : i32 to vector<16xi32>
          %add3A_247 = arith.addi %shift_right_logical3A_166, %add3A_246 : vector<16xi32>
          %gather3A_248 = tpu.vector_load_idx %arg7[%add3A_247, %and3A_172] : memref<112x256xf32, #tpu.memory_space<vmem>>[vector<16xi32>, vector<16xi32>], vector<16xf32>,
          %max3A_249 = arith.maximumf %max3A_245, %gather3A_248 : vector<16xf32>
          %add3A_250 = vector.broadcast %mul3A_226 : i32 to vector<16xi32>
          %add3A_251 = arith.addi %shift_right_logical3A_178, %add3A_250 : vector<16xi32>
          %gather3A_252 = tpu.vector_load_idx %arg7[%add3A_251, %and3A_184] : memref<112x256xf32, #tpu.memory_space<vmem>>[vector<16xi32>, vector<16xi32>], vector<16xf32>,
          %max3A_253 = arith.maximumf %max3A_249, %gather3A_252 : vector<16xf32>
          %mul3A_254 = arith.constant 16 : i32
          %mul3A_255 = arith.muli %scan3A_98, %mul3A_254 : i32
          %swap3A_256 = arith.index_cast %scan3A_224 : i32 to index
          %swap3A_257 = arith.index_cast %mul3A_255 : i32 to index
          %swap3A_258 = tpu.vector_load %arg9[%swap3A_256, %swap3A_257] {strides = array<i32>} : memref<16x256xf32, #tpu.memory_space<vmem>>, vector<16xf32>,
          tpu.vector_store %arg9[%swap3A_256, %swap3A_257], %max3A_253 {strides = array<i32>} : memref<16x256xf32, #tpu.memory_space<vmem>>, vector<16xf32>,
          %scan3A_259 = arith.constant 2 : i32
          %scan3A_260 = arith.addi %scan3A_191, %scan3A_259 : i32
          %mul3A_261 = arith.constant 7 : i32
          %mul3A_262 = arith.muli %mul3A_261, %scan3A_260 : i32
          %add3A_263 = vector.broadcast %mul3A_262 : i32 to vector<16xi32>
          %add3A_264 = arith.addi %shift_right_logical3A_107, %add3A_263 : vector<16xi32>
          %gather3A_265 = tpu.vector_load_idx %arg7[%add3A_264, %and3A_112] : memref<112x256xf32, #tpu.memory_space<vmem>>[vector<16xi32>, vector<16xi32>], vector<16xf32>,
          %add3A_266 = vector.broadcast %mul3A_262 : i32 to vector<16xi32>
          %add3A_267 = arith.addi %shift_right_logical3A_118, %add3A_266 : vector<16xi32>
          %gather3A_268 = tpu.vector_load_idx %arg7[%add3A_267, %and3A_124] : memref<112x256xf32, #tpu.memory_space<vmem>>[vector<16xi32>, vector<16xi32>], vector<16xf32>,
          %max3A_269 = arith.maximumf %gather3A_265, %gather3A_268 : vector<16xf32>
          %add3A_270 = vector.broadcast %mul3A_262 : i32 to vector<16xi32>
          %add3A_271 = arith.addi %shift_right_logical3A_130, %add3A_270 : vector<16xi32>
          %gather3A_272 = tpu.vector_load_idx %arg7[%add3A_271, %and3A_136] : memref<112x256xf32, #tpu.memory_space<vmem>>[vector<16xi32>, vector<16xi32>], vector<16xf32>,
          %max3A_273 = arith.maximumf %max3A_269, %gather3A_272 : vector<16xf32>
          %add3A_274 = vector.broadcast %mul3A_262 : i32 to vector<16xi32>
          %add3A_275 = arith.addi %shift_right_logical3A_142, %add3A_274 : vector<16xi32>
          %gather3A_276 = tpu.vector_load_idx %arg7[%add3A_275, %and3A_148] : memref<112x256xf32, #tpu.memory_space<vmem>>[vector<16xi32>, vector<16xi32>], vector<16xf32>,
          %max3A_277 = arith.maximumf %max3A_273, %gather3A_276 : vector<16xf32>
          %add3A_278 = vector.broadcast %mul3A_262 : i32 to vector<16xi32>
          %add3A_279 = arith.addi %shift_right_logical3A_154, %add3A_278 : vector<16xi32>
          %gather3A_280 = tpu.vector_load_idx %arg7[%add3A_279, %and3A_160] : memref<112x256xf32, #tpu.memory_space<vmem>>[vector<16xi32>, vector<16xi32>], vector<16xf32>,
          %max3A_281 = arith.maximumf %max3A_277, %gather3A_280 : vector<16xf32>
          %add3A_282 = vector.broadcast %mul3A_262 : i32 to vector<16xi32>
          %add3A_283 = arith.addi %shift_right_logical3A_166, %add3A_282 : vector<16xi32>
          %gather3A_284 = tpu.vector_load_idx %arg7[%add3A_283, %and3A_172] : memref<112x256xf32, #tpu.memory_space<vmem>>[vector<16xi32>, vector<16xi32>], vector<16xf32>,
          %max3A_285 = arith.maximumf %max3A_281, %gather3A_284 : vector<16xf32>
          %add3A_286 = vector.broadcast %mul3A_262 : i32 to vector<16xi32>
          %add3A_287 = arith.addi %shift_right_logical3A_178, %add3A_286 : vector<16xi32>
          %gather3A_288 = tpu.vector_load_idx %arg7[%add3A_287, %and3A_184] : memref<112x256xf32, #tpu.memory_space<vmem>>[vector<16xi32>, vector<16xi32>], vector<16xf32>,
          %max3A_289 = arith.maximumf %max3A_285, %gather3A_288 : vector<16xf32>
          %mul3A_290 = arith.constant 16 : i32
          %mul3A_291 = arith.muli %scan3A_98, %mul3A_290 : i32
          %swap3A_292 = arith.index_cast %scan3A_260 : i32 to index
          %swap3A_293 = arith.index_cast %mul3A_291 : i32 to index
          %swap3A_294 = tpu.vector_load %arg9[%swap3A_292, %swap3A_293] {strides = array<i32>} : memref<16x256xf32, #tpu.memory_space<vmem>>, vector<16xf32>,
          tpu.vector_store %arg9[%swap3A_292, %swap3A_293], %max3A_289 {strides = array<i32>} : memref<16x256xf32, #tpu.memory_space<vmem>>, vector<16xf32>,
          %scan3A_295 = arith.constant 3 : i32
          %scan3A_296 = arith.addi %scan3A_191, %scan3A_295 : i32
          %mul3A_297 = arith.constant 7 : i32
          %mul3A_298 = arith.muli %mul3A_297, %scan3A_296 : i32
          %add3A_299 = vector.broadcast %mul3A_298 : i32 to vector<16xi32>
          %add3A_300 = arith.addi %shift_right_logical3A_107, %add3A_299 : vector<16xi32>
          %gather3A_301 = tpu.vector_load_idx %arg7[%add3A_300, %and3A_112] : memref<112x256xf32, #tpu.memory_space<vmem>>[vector<16xi32>, vector<16xi32>], vector<16xf32>,
          %add3A_302 = vector.broadcast %mul3A_298 : i32 to vector<16xi32>
          %add3A_303 = arith.addi %shift_right_logical3A_118, %add3A_302 : vector<16xi32>
          %gather3A_304 = tpu.vector_load_idx %arg7[%add3A_303, %and3A_124] : memref<112x256xf32, #tpu.memory_space<vmem>>[vector<16xi32>, vector<16xi32>], vector<16xf32>,
          %max3A_305 = arith.maximumf %gather3A_301, %gather3A_304 : vector<16xf32>
          %add3A_306 = vector.broadcast %mul3A_298 : i32 to vector<16xi32>
          %add3A_307 = arith.addi %shift_right_logical3A_130, %add3A_306 : vector<16xi32>
          %gather3A_308 = tpu.vector_load_idx %arg7[%add3A_307, %and3A_136] : memref<112x256xf32, #tpu.memory_space<vmem>>[vector<16xi32>, vector<16xi32>], vector<16xf32>,
          %max3A_309 = arith.maximumf %max3A_305, %gather3A_308 : vector<16xf32>
          %add3A_310 = vector.broadcast %mul3A_298 : i32 to vector<16xi32>
          %add3A_311 = arith.addi %shift_right_logical3A_142, %add3A_310 : vector<16xi32>
          %gather3A_312 = tpu.vector_load_idx %arg7[%add3A_311, %and3A_148] : memref<112x256xf32, #tpu.memory_space<vmem>>[vector<16xi32>, vector<16xi32>], vector<16xf32>,
          %max3A_313 = arith.maximumf %max3A_309, %gather3A_312 : vector<16xf32>
          %add3A_314 = vector.broadcast %mul3A_298 : i32 to vector<16xi32>
          %add3A_315 = arith.addi %shift_right_logical3A_154, %add3A_314 : vector<16xi32>
          %gather3A_316 = tpu.vector_load_idx %arg7[%add3A_315, %and3A_160] : memref<112x256xf32, #tpu.memory_space<vmem>>[vector<16xi32>, vector<16xi32>], vector<16xf32>,
          %max3A_317 = arith.maximumf %max3A_313, %gather3A_316 : vector<16xf32>
          %add3A_318 = vector.broadcast %mul3A_298 : i32 to vector<16xi32>
          %add3A_319 = arith.addi %shift_right_logical3A_166, %add3A_318 : vector<16xi32>
          %gather3A_320 = tpu.vector_load_idx %arg7[%add3A_319, %and3A_172] : memref<112x256xf32, #tpu.memory_space<vmem>>[vector<16xi32>, vector<16xi32>], vector<16xf32>,
          %max3A_321 = arith.maximumf %max3A_317, %gather3A_320 : vector<16xf32>
          %add3A_322 = vector.broadcast %mul3A_298 : i32 to vector<16xi32>
          %add3A_323 = arith.addi %shift_right_logical3A_178, %add3A_322 : vector<16xi32>
          %gather3A_324 = tpu.vector_load_idx %arg7[%add3A_323, %and3A_184] : memref<112x256xf32, #tpu.memory_space<vmem>>[vector<16xi32>, vector<16xi32>], vector<16xf32>,
          %max3A_325 = arith.maximumf %max3A_321, %gather3A_324 : vector<16xf32>
          %mul3A_326 = arith.constant 16 : i32
          %mul3A_327 = arith.muli %scan3A_98, %mul3A_326 : i32
          %swap3A_328 = arith.index_cast %scan3A_296 : i32 to index
          %swap3A_329 = arith.index_cast %mul3A_327 : i32 to index
          %swap3A_330 = tpu.vector_load %arg9[%swap3A_328, %swap3A_329] {strides = array<i32>} : memref<16x256xf32, #tpu.memory_space<vmem>>, vector<16xf32>,
          tpu.vector_store %arg9[%swap3A_328, %swap3A_329], %max3A_325 {strides = array<i32>} : memref<16x256xf32, #tpu.memory_space<vmem>>, vector<16xf32>,
        }
        %scan3A_190 = arith.constant 16 : i32
      }
      %scan3A_90 = arith.constant 16 : i32
      %add3A_91 = arith.addi %mul3A_2, %add3A_73 : i32
      %mul3A_92 = arith.constant 16 : i32
      %mul3A_93 = arith.muli %add3A_91, %mul3A_92 : i32
      %dma_start3A_94 = arith.constant 0 : i32
      %dma_start3A_95 = tpu.memref_slice %arg4[%mul3A_93, %dma_start3A_94] : memref<40962x256xf32, #tpu.memory_space<hbm>> -> memref<16x256xf32, #tpu.memory_space<hbm>>
      %dma_start3A_96 = arith.constant 0 : i32
      %dma_start3A_97 = tpu.memref_slice %arg4[%mul3A_93, %dma_start3A_96] : memref<40962x256xf32, #tpu.memory_space<hbm>> -> memref<16x256xf32, #tpu.memory_space<hbm>>
      tpu.enqueue_dma source(%arg9 : memref<16x256xf32, #tpu.memory_space<vmem>>) target(%dma_start3A_97 : memref<16x256xf32, #tpu.memory_space<hbm>>) target_semaphore(%arg13 : memref<!tpu.dma_semaphore, #tpu.memory_space<semaphore_mem>>)
    }
    %scan3A_16 = arith.constant 40 : i32
    %add3A_17 = arith.constant 78 : i32
    %add3A_18 = arith.addi %mul3A_2, %add3A_17 : i32
    %mul3A_19 = arith.constant 16 : i32
    %mul3A_20 = arith.muli %add3A_18, %mul3A_19 : i32
    %dma_wait3A = arith.constant 0 : i32
    %dma_wait3A_21 = tpu.memref_slice %arg4[%mul3A_20, %dma_wait3A] : memref<40962x256xf32, #tpu.memory_space<hbm>> -> memref<16x256xf32, #tpu.memory_space<hbm>>
    %dma_wait3A_22 = arith.constant 0 : i32
    %dma_wait3A_23 = tpu.memref_slice %arg4[%mul3A_20, %dma_wait3A_22] : memref<40962x256xf32, #tpu.memory_space<hbm>> -> memref<16x256xf32, #tpu.memory_space<hbm>>
    tpu.wait_dma2 semaphore(%arg12 : memref<!tpu.dma_semaphore, #tpu.memory_space<semaphore_mem>>) src(%arg8 : memref<16x256xf32, #tpu.memory_space<vmem>>) dst(%dma_wait3A_23 : memref<16x256xf32, #tpu.memory_space<hbm>>)
    %add3A_24 = arith.constant 79 : i32
    %add3A_25 = arith.addi %mul3A_2, %add3A_24 : i32
    %mul3A_26 = arith.constant 16 : i32
    %mul3A_27 = arith.muli %add3A_25, %mul3A_26 : i32
    %dma_wait3A_28 = arith.constant 0 : i32
    %dma_wait3A_29 = tpu.memref_slice %arg4[%mul3A_27, %dma_wait3A_28] : memref<40962x256xf32, #tpu.memory_space<hbm>> -> memref<16x256xf32, #tpu.memory_space<hbm>>
    %dma_wait3A_30 = arith.constant 0 : i32
    %dma_wait3A_31 = tpu.memref_slice %arg4[%mul3A_27, %dma_wait3A_30] : memref<40962x256xf32, #tpu.memory_space<hbm>> -> memref<16x256xf32, #tpu.memory_space<hbm>>
    tpu.wait_dma2 semaphore(%arg13 : memref<!tpu.dma_semaphore, #tpu.memory_space<semaphore_mem>>) src(%arg9 : memref<16x256xf32, #tpu.memory_space<vmem>>) dst(%dma_wait3A_31 : memref<16x256xf32, #tpu.memory_space<hbm>>)
    %eq3A = arith.constant 0 : i32
    %eq3A_32 = arith.cmpi eq, %add3A, %eq3A : i32
    %convert_element_type3A = arith.extui %eq3A_32 : i1 to i32
    %cond3A = arith.constant 0 : i32
    %cond3A_33 = arith.cmpi ne, %convert_element_type3A, %cond3A : i32
    scf.if %cond3A_33 {
      "tpu.region"() ({
        %run_scoped3A = tpu.sem_alloc : memref<!tpu.dma_semaphore, #tpu.memory_space<semaphore_mem>>
        %dma_start3A_60 = arith.constant 0 : i32
        %dma_start3A_61 = tpu.memref_slice %arg5[%dma_start3A_60] : memref<8960xi32, #tpu.memory_space<vmem>> -> memref<14xi32, #tpu.memory_space<vmem>>
        %dma_start3A_62 = arith.constant 286720 : i32
        %dma_start3A_63 = tpu.memref_slice %arg3[%dma_start3A_62] : memref<286734xi32, #tpu.memory_space<hbm>> -> memref<14xi32, #tpu.memory_space<hbm>>
        %dma_start3A_64 = arith.constant 0 : i32
        %dma_start3A_65 = tpu.memref_slice %arg5[%dma_start3A_64] : memref<8960xi32, #tpu.memory_space<vmem>> -> memref<14xi32, #tpu.memory_space<vmem>>
        %dma_start3A_66 = arith.constant 286720 : i32
        %dma_start3A_67 = tpu.memref_slice %arg3[%dma_start3A_66] : memref<286734xi32, #tpu.memory_space<hbm>> -> memref<14xi32, #tpu.memory_space<hbm>>
        tpu.enqueue_dma source(%dma_start3A_67 : memref<14xi32, #tpu.memory_space<hbm>>) target(%dma_start3A_65 : memref<14xi32, #tpu.memory_space<vmem>>) target_semaphore(%run_scoped3A : memref<!tpu.dma_semaphore, #tpu.memory_space<semaphore_mem>>)
        %dma_wait3A_68 = arith.constant 0 : i32
        %dma_wait3A_69 = tpu.memref_slice %arg5[%dma_wait3A_68] : memref<8960xi32, #tpu.memory_space<vmem>> -> memref<14xi32, #tpu.memory_space<vmem>>
        %dma_wait3A_70 = arith.constant 286720 : i32
        %dma_wait3A_71 = tpu.memref_slice %arg3[%dma_wait3A_70] : memref<286734xi32, #tpu.memory_space<hbm>> -> memref<14xi32, #tpu.memory_space<hbm>>
        %dma_wait3A_72 = arith.constant 0 : i32
        %dma_wait3A_73 = tpu.memref_slice %arg5[%dma_wait3A_72] : memref<8960xi32, #tpu.memory_space<vmem>> -> memref<14xi32, #tpu.memory_space<vmem>>
        %dma_wait3A_74 = arith.constant 286720 : i32
        %dma_wait3A_75 = tpu.memref_slice %arg3[%dma_wait3A_74] : memref<286734xi32, #tpu.memory_space<hbm>> -> memref<14xi32, #tpu.memory_space<hbm>>
        tpu.wait_dma2 semaphore(%run_scoped3A : memref<!tpu.dma_semaphore, #tpu.memory_space<semaphore_mem>>) src(%dma_wait3A_75 : memref<14xi32, #tpu.memory_space<hbm>>) dst(%dma_wait3A_73 : memref<14xi32, #tpu.memory_space<vmem>>)
        tpu.yield
      }) : () -> ()
      %get3A = arith.constant 0 : index
      %get3A_34 = tpu.vector_load %arg5[%get3A] {strides = array<i32>} : memref<8960xi32, #tpu.memory_space<vmem>>, vector<16xi32>,
      %lt3A = arith.constant 14 : i32
      %lt3A_35 = vector.broadcast %lt3A : i32 to vector<16xi32>
      %lt3A_36 = arith.cmpi slt, %iota3A, %lt3A_35 : vector<16xi32>
      %jit3A = arith.constant 0 : i32
      %broadcast_in_dim3A = vector.broadcast %jit3A : i32 to vector<16xi32>
      %select_n3A = arith.select %lt3A_36, %get3A_34, %broadcast_in_dim3A : vector<16xi1>, vector<16xi32>
      %swap3A = arith.constant 0 : index
      %swap3A_37 = tpu.vector_load %arg5[%swap3A] {strides = array<i32>} : memref<8960xi32, #tpu.memory_space<vmem>>, vector<16xi32>,
      tpu.vector_store %arg5[%swap3A], %select_n3A {strides = array<i32>} : memref<8960xi32, #tpu.memory_space<vmem>>, vector<16xi32>,
      %dma_start3A_38 = arith.constant 0 : i32
      %dma_start3A_39 = arith.constant 0 : i32
      %dma_start3A_40 = tpu.memref_slice %arg6[%dma_start3A_38, %dma_start3A_39] : memref<112x256xf32, #tpu.memory_space<vmem>> -> memref<16x256xf32, #tpu.memory_space<vmem>>
      %dma_start3A_41 = arith.constant 0 : i32
      %dma_start3A_42 = tpu.memref_slice %arg5[%dma_start3A_41] : memref<8960xi32, #tpu.memory_space<vmem>> -> memref<16xi32, #tpu.memory_space<vmem>>
      %dma_start3A_43 = arith.constant 0 : i32
      %dma_start3A_44 = arith.constant 0 : i32
      %dma_start3A_45 = tpu.memref_slice %arg2[%dma_start3A_43, %dma_start3A_44] : memref<163842x256xf32, #tpu.memory_space<hbm>> -> memref<163842x256xf32, #tpu.memory_space<hbm>>
      tpu.enqueue_indirect_dma source(%dma_start3A_45 : memref<163842x256xf32, #tpu.memory_space<hbm>>) target(%dma_start3A_40 : memref<16x256xf32, #tpu.memory_space<vmem>>) offsets(%dma_start3A_42 : memref<16xi32, #tpu.memory_space<vmem>>) semaphore(%arg10 : memref<!tpu.dma_semaphore, #tpu.memory_space<semaphore_mem>>)
      %dma_wait3A_46 = arith.constant 0 : i32
      %dma_wait3A_47 = arith.constant 0 : i32
      %dma_wait3A_48 = tpu.memref_slice %arg6[%dma_wait3A_46, %dma_wait3A_47] : memref<112x256xf32, #tpu.memory_space<vmem>> -> memref<16x256xf32, #tpu.memory_space<vmem>>
      %dma_wait3A_49 = arith.constant 0 : i32
      %dma_wait3A_50 = tpu.memref_slice %arg5[%dma_wait3A_49] : memref<8960xi32, #tpu.memory_space<vmem>> -> memref<16xi32, #tpu.memory_space<vmem>>
      %dma_wait3A_51 = arith.constant 0 : i32
      %dma_wait3A_52 = arith.constant 0 : i32
      %dma_wait3A_53 = tpu.memref_slice %arg2[%dma_wait3A_51, %dma_wait3A_52] : memref<163842x256xf32, #tpu.memory_space<hbm>> -> memref<163842x256xf32, #tpu.memory_space<hbm>>
      tpu.wait_indirect_dma semaphore(%arg10 : memref<!tpu.dma_semaphore, #tpu.memory_space<semaphore_mem>>) src(%dma_wait3A_53 : memref<163842x256xf32, #tpu.memory_space<hbm>>) dst(%dma_wait3A_48 : memref<16x256xf32, #tpu.memory_space<vmem>>)
      %scan3A_54 = arith.constant 0 : i32
      %scan3A_55 = arith.constant 0 : i32
      %scan3A_56 = arith.constant 16 : i32
      %scan3A_57 = arith.addi %scan3A_55, %scan3A_56 : i32
      %scan3A_58 = arith.constant 1 : i32
      scf.for %scan3A_60 = %scan3A_55 to %scan3A_57 step %scan3A_58  : i32 {
        %mul3A_61 = arith.constant 112 : i32
        %mul3A_62 = arith.muli %mul3A_61, %scan3A_60 : i32
        %add3A_63 = vector.broadcast %mul3A_62 : i32 to vector<16xi32>
        %add3A_64 = arith.addi %add3A_63, %mul3A_5 : vector<16xi32>
        %add3A_65 = arith.constant 0 : i32
        %add3A_66 = vector.broadcast %add3A_65 : i32 to vector<16xi32>
        %add3A_67 = arith.addi %add3A_64, %add3A_66 : vector<16xi32>
        %shift_right_logical3A = arith.constant 8 : i32
        %shift_right_logical3A_68 = vector.broadcast %shift_right_logical3A : i32 to vector<16xi32>
        %shift_right_logical3A_69 = arith.shrui %add3A_67, %shift_right_logical3A_68 : vector<16xi32>
        %add3A_70 = arith.constant 0 : i32
        %add3A_71 = vector.broadcast %add3A_70 : i32 to vector<16xi32>
        %add3A_72 = arith.addi %add3A_64, %add3A_71 : vector<16xi32>
        %and3A = arith.constant 255 : i32
        %and3A_73 = vector.broadcast %and3A : i32 to vector<16xi32>
        %and3A_74 = arith.andi %add3A_72, %and3A_73 : vector<16xi32>
        %add3A_75 = arith.constant 1 : i32
        %add3A_76 = vector.broadcast %add3A_75 : i32 to vector<16xi32>
        %add3A_77 = arith.addi %add3A_64, %add3A_76 : vector<16xi32>
        %shift_right_logical3A_78 = arith.constant 8 : i32
        %shift_right_logical3A_79 = vector.broadcast %shift_right_logical3A_78 : i32 to vector<16xi32>
        %shift_right_logical3A_80 = arith.shrui %add3A_77, %shift_right_logical3A_79 : vector<16xi32>
        %add3A_81 = arith.constant 1 : i32
        %add3A_82 = vector.broadcast %add3A_81 : i32 to vector<16xi32>
        %add3A_83 = arith.addi %add3A_64, %add3A_82 : vector<16xi32>
        %and3A_84 = arith.constant 255 : i32
        %and3A_85 = vector.broadcast %and3A_84 : i32 to vector<16xi32>
        %and3A_86 = arith.andi %add3A_83, %and3A_85 : vector<16xi32>
        %add3A_87 = arith.constant 2 : i32
        %add3A_88 = vector.broadcast %add3A_87 : i32 to vector<16xi32>
        %add3A_89 = arith.addi %add3A_64, %add3A_88 : vector<16xi32>
        %shift_right_logical3A_90 = arith.constant 8 : i32
        %shift_right_logical3A_91 = vector.broadcast %shift_right_logical3A_90 : i32 to vector<16xi32>
        %shift_right_logical3A_92 = arith.shrui %add3A_89, %shift_right_logical3A_91 : vector<16xi32>
        %add3A_93 = arith.constant 2 : i32
        %add3A_94 = vector.broadcast %add3A_93 : i32 to vector<16xi32>
        %add3A_95 = arith.addi %add3A_64, %add3A_94 : vector<16xi32>
        %and3A_96 = arith.constant 255 : i32
        %and3A_97 = vector.broadcast %and3A_96 : i32 to vector<16xi32>
        %and3A_98 = arith.andi %add3A_95, %and3A_97 : vector<16xi32>
        %add3A_99 = arith.constant 3 : i32
        %add3A_100 = vector.broadcast %add3A_99 : i32 to vector<16xi32>
        %add3A_101 = arith.addi %add3A_64, %add3A_100 : vector<16xi32>
        %shift_right_logical3A_102 = arith.constant 8 : i32
        %shift_right_logical3A_103 = vector.broadcast %shift_right_logical3A_102 : i32 to vector<16xi32>
        %shift_right_logical3A_104 = arith.shrui %add3A_101, %shift_right_logical3A_103 : vector<16xi32>
        %add3A_105 = arith.constant 3 : i32
        %add3A_106 = vector.broadcast %add3A_105 : i32 to vector<16xi32>
        %add3A_107 = arith.addi %add3A_64, %add3A_106 : vector<16xi32>
        %and3A_108 = arith.constant 255 : i32
        %and3A_109 = vector.broadcast %and3A_108 : i32 to vector<16xi32>
        %and3A_110 = arith.andi %add3A_107, %and3A_109 : vector<16xi32>
        %add3A_111 = arith.constant 4 : i32
        %add3A_112 = vector.broadcast %add3A_111 : i32 to vector<16xi32>
        %add3A_113 = arith.addi %add3A_64, %add3A_112 : vector<16xi32>
        %shift_right_logical3A_114 = arith.constant 8 : i32
        %shift_right_logical3A_115 = vector.broadcast %shift_right_logical3A_114 : i32 to vector<16xi32>
        %shift_right_logical3A_116 = arith.shrui %add3A_113, %shift_right_logical3A_115 : vector<16xi32>
        %add3A_117 = arith.constant 4 : i32
        %add3A_118 = vector.broadcast %add3A_117 : i32 to vector<16xi32>
        %add3A_119 = arith.addi %add3A_64, %add3A_118 : vector<16xi32>
        %and3A_120 = arith.constant 255 : i32
        %and3A_121 = vector.broadcast %and3A_120 : i32 to vector<16xi32>
        %and3A_122 = arith.andi %add3A_119, %and3A_121 : vector<16xi32>
        %add3A_123 = arith.constant 5 : i32
        %add3A_124 = vector.broadcast %add3A_123 : i32 to vector<16xi32>
        %add3A_125 = arith.addi %add3A_64, %add3A_124 : vector<16xi32>
        %shift_right_logical3A_126 = arith.constant 8 : i32
        %shift_right_logical3A_127 = vector.broadcast %shift_right_logical3A_126 : i32 to vector<16xi32>
        %shift_right_logical3A_128 = arith.shrui %add3A_125, %shift_right_logical3A_127 : vector<16xi32>
        %add3A_129 = arith.constant 5 : i32
        %add3A_130 = vector.broadcast %add3A_129 : i32 to vector<16xi32>
        %add3A_131 = arith.addi %add3A_64, %add3A_130 : vector<16xi32>
        %and3A_132 = arith.constant 255 : i32
        %and3A_133 = vector.broadcast %and3A_132 : i32 to vector<16xi32>
        %and3A_134 = arith.andi %add3A_131, %and3A_133 : vector<16xi32>
        %add3A_135 = arith.constant 6 : i32
        %add3A_136 = vector.broadcast %add3A_135 : i32 to vector<16xi32>
        %add3A_137 = arith.addi %add3A_64, %add3A_136 : vector<16xi32>
        %shift_right_logical3A_138 = arith.constant 8 : i32
        %shift_right_logical3A_139 = vector.broadcast %shift_right_logical3A_138 : i32 to vector<16xi32>
        %shift_right_logical3A_140 = arith.shrui %add3A_137, %shift_right_logical3A_139 : vector<16xi32>
        %add3A_141 = arith.constant 6 : i32
        %add3A_142 = vector.broadcast %add3A_141 : i32 to vector<16xi32>
        %add3A_143 = arith.addi %add3A_64, %add3A_142 : vector<16xi32>
        %and3A_144 = arith.constant 255 : i32
        %and3A_145 = vector.broadcast %and3A_144 : i32 to vector<16xi32>
        %and3A_146 = arith.andi %add3A_143, %and3A_145 : vector<16xi32>
        %scan3A_147 = arith.constant 0 : i32
        %scan3A_148 = arith.constant 0 : i32
        %scan3A_149 = arith.constant 0 : i32
        %scan3A_150 = arith.addi %scan3A_148, %scan3A_149 : i32
        %scan3A_151 = arith.constant 0 : i32
        %scan3A_152 = arith.addi %scan3A_148, %scan3A_151 : i32
        %mul3A_153 = arith.constant 7 : i32
        %mul3A_154 = arith.muli %mul3A_153, %scan3A_152 : i32
        %add3A_155 = vector.broadcast %mul3A_154 : i32 to vector<16xi32>
        %add3A_156 = arith.addi %shift_right_logical3A_69, %add3A_155 : vector<16xi32>
        %gather3A = tpu.vector_load_idx %arg6[%add3A_156, %and3A_74] : memref<112x256xf32, #tpu.memory_space<vmem>>[vector<16xi32>, vector<16xi32>], vector<16xf32>,
        %add3A_157 = vector.broadcast %mul3A_154 : i32 to vector<16xi32>
        %add3A_158 = arith.addi %shift_right_logical3A_80, %add3A_157 : vector<16xi32>
        %gather3A_159 = tpu.vector_load_idx %arg6[%add3A_158, %and3A_86] : memref<112x256xf32, #tpu.memory_space<vmem>>[vector<16xi32>, vector<16xi32>], vector<16xf32>,
        %max3A = arith.maximumf %gather3A, %gather3A_159 : vector<16xf32>
        %add3A_160 = vector.broadcast %mul3A_154 : i32 to vector<16xi32>
        %add3A_161 = arith.addi %shift_right_logical3A_92, %add3A_160 : vector<16xi32>
        %gather3A_162 = tpu.vector_load_idx %arg6[%add3A_161, %and3A_98] : memref<112x256xf32, #tpu.memory_space<vmem>>[vector<16xi32>, vector<16xi32>], vector<16xf32>,
        %max3A_163 = arith.maximumf %max3A, %gather3A_162 : vector<16xf32>
        %add3A_164 = vector.broadcast %mul3A_154 : i32 to vector<16xi32>
        %add3A_165 = arith.addi %shift_right_logical3A_104, %add3A_164 : vector<16xi32>
        %gather3A_166 = tpu.vector_load_idx %arg6[%add3A_165, %and3A_110] : memref<112x256xf32, #tpu.memory_space<vmem>>[vector<16xi32>, vector<16xi32>], vector<16xf32>,
        %max3A_167 = arith.maximumf %max3A_163, %gather3A_166 : vector<16xf32>
        %add3A_168 = vector.broadcast %mul3A_154 : i32 to vector<16xi32>
        %add3A_169 = arith.addi %shift_right_logical3A_116, %add3A_168 : vector<16xi32>
        %gather3A_170 = tpu.vector_load_idx %arg6[%add3A_169, %and3A_122] : memref<112x256xf32, #tpu.memory_space<vmem>>[vector<16xi32>, vector<16xi32>], vector<16xf32>,
        %max3A_171 = arith.maximumf %max3A_167, %gather3A_170 : vector<16xf32>
        %add3A_172 = vector.broadcast %mul3A_154 : i32 to vector<16xi32>
        %add3A_173 = arith.addi %shift_right_logical3A_128, %add3A_172 : vector<16xi32>
        %gather3A_174 = tpu.vector_load_idx %arg6[%add3A_173, %and3A_134] : memref<112x256xf32, #tpu.memory_space<vmem>>[vector<16xi32>, vector<16xi32>], vector<16xf32>,
        %max3A_175 = arith.maximumf %max3A_171, %gather3A_174 : vector<16xf32>
        %add3A_176 = vector.broadcast %mul3A_154 : i32 to vector<16xi32>
        %add3A_177 = arith.addi %shift_right_logical3A_140, %add3A_176 : vector<16xi32>
        %gather3A_178 = tpu.vector_load_idx %arg6[%add3A_177, %and3A_146] : memref<112x256xf32, #tpu.memory_space<vmem>>[vector<16xi32>, vector<16xi32>], vector<16xf32>,
        %max3A_179 = arith.maximumf %max3A_175, %gather3A_178 : vector<16xf32>
        %mul3A_180 = arith.constant 16 : i32
        %mul3A_181 = arith.muli %scan3A_60, %mul3A_180 : i32
        %swap3A_182 = arith.index_cast %scan3A_152 : i32 to index
        %swap3A_183 = arith.index_cast %mul3A_181 : i32 to index
        %swap3A_184 = tpu.vector_load %arg8[%swap3A_182, %swap3A_183] {strides = array<i32>} : memref<16x256xf32, #tpu.memory_space<vmem>>, vector<16xf32>,
        tpu.vector_store %arg8[%swap3A_182, %swap3A_183], %max3A_179 {strides = array<i32>} : memref<16x256xf32, #tpu.memory_space<vmem>>, vector<16xf32>,
        %scan3A_185 = arith.constant 1 : i32
        %scan3A_186 = arith.addi %scan3A_148, %scan3A_185 : i32
        %mul3A_187 = arith.constant 7 : i32
        %mul3A_188 = arith.muli %mul3A_187, %scan3A_186 : i32
        %add3A_189 = vector.broadcast %mul3A_188 : i32 to vector<16xi32>
        %add3A_190 = arith.addi %shift_right_logical3A_69, %add3A_189 : vector<16xi32>
        %gather3A_191 = tpu.vector_load_idx %arg6[%add3A_190, %and3A_74] : memref<112x256xf32, #tpu.memory_space<vmem>>[vector<16xi32>, vector<16xi32>], vector<16xf32>,
        %add3A_192 = vector.broadcast %mul3A_188 : i32 to vector<16xi32>
        %add3A_193 = arith.addi %shift_right_logical3A_80, %add3A_192 : vector<16xi32>
        %gather3A_194 = tpu.vector_load_idx %arg6[%add3A_193, %and3A_86] : memref<112x256xf32, #tpu.memory_space<vmem>>[vector<16xi32>, vector<16xi32>], vector<16xf32>,
        %max3A_195 = arith.maximumf %gather3A_191, %gather3A_194 : vector<16xf32>
        %add3A_196 = vector.broadcast %mul3A_188 : i32 to vector<16xi32>
        %add3A_197 = arith.addi %shift_right_logical3A_92, %add3A_196 : vector<16xi32>
        %gather3A_198 = tpu.vector_load_idx %arg6[%add3A_197, %and3A_98] : memref<112x256xf32, #tpu.memory_space<vmem>>[vector<16xi32>, vector<16xi32>], vector<16xf32>,
        %max3A_199 = arith.maximumf %max3A_195, %gather3A_198 : vector<16xf32>
        %add3A_200 = vector.broadcast %mul3A_188 : i32 to vector<16xi32>
        %add3A_201 = arith.addi %shift_right_logical3A_104, %add3A_200 : vector<16xi32>
        %gather3A_202 = tpu.vector_load_idx %arg6[%add3A_201, %and3A_110] : memref<112x256xf32, #tpu.memory_space<vmem>>[vector<16xi32>, vector<16xi32>], vector<16xf32>,
        %max3A_203 = arith.maximumf %max3A_199, %gather3A_202 : vector<16xf32>
        %add3A_204 = vector.broadcast %mul3A_188 : i32 to vector<16xi32>
        %add3A_205 = arith.addi %shift_right_logical3A_116, %add3A_204 : vector<16xi32>
        %gather3A_206 = tpu.vector_load_idx %arg6[%add3A_205, %and3A_122] : memref<112x256xf32, #tpu.memory_space<vmem>>[vector<16xi32>, vector<16xi32>], vector<16xf32>,
        %max3A_207 = arith.maximumf %max3A_203, %gather3A_206 : vector<16xf32>
        %add3A_208 = vector.broadcast %mul3A_188 : i32 to vector<16xi32>
        %add3A_209 = arith.addi %shift_right_logical3A_128, %add3A_208 : vector<16xi32>
        %gather3A_210 = tpu.vector_load_idx %arg6[%add3A_209, %and3A_134] : memref<112x256xf32, #tpu.memory_space<vmem>>[vector<16xi32>, vector<16xi32>], vector<16xf32>,
        %max3A_211 = arith.maximumf %max3A_207, %gather3A_210 : vector<16xf32>
        %add3A_212 = vector.broadcast %mul3A_188 : i32 to vector<16xi32>
        %add3A_213 = arith.addi %shift_right_logical3A_140, %add3A_212 : vector<16xi32>
        %gather3A_214 = tpu.vector_load_idx %arg6[%add3A_213, %and3A_146] : memref<112x256xf32, #tpu.memory_space<vmem>>[vector<16xi32>, vector<16xi32>], vector<16xf32>,
        %max3A_215 = arith.maximumf %max3A_211, %gather3A_214 : vector<16xf32>
        %mul3A_216 = arith.constant 16 : i32
        %mul3A_217 = arith.muli %scan3A_60, %mul3A_216 : i32
        %swap3A_218 = arith.index_cast %scan3A_186 : i32 to index
        %swap3A_219 = arith.index_cast %mul3A_217 : i32 to index
        %swap3A_220 = tpu.vector_load %arg8[%swap3A_218, %swap3A_219] {strides = array<i32>} : memref<16x256xf32, #tpu.memory_space<vmem>>, vector<16xf32>,
        tpu.vector_store %arg8[%swap3A_218, %swap3A_219], %max3A_215 {strides = array<i32>} : memref<16x256xf32, #tpu.memory_space<vmem>>, vector<16xf32>,
        %scan3A_221 = arith.constant 2 : i32
      }
      %scan3A_59 = arith.constant 16 : i32
      "tpu.region"() ({
        %run_scoped3A = tpu.sem_alloc : memref<!tpu.dma_semaphore, #tpu.memory_space<semaphore_mem>>
        %dma_start3A_60 = arith.constant 0 : i32
        %dma_start3A_61 = arith.constant 0 : i32
        %dma_start3A_62 = tpu.memref_slice %arg8[%dma_start3A_60, %dma_start3A_61] : memref<16x256xf32, #tpu.memory_space<vmem>> -> memref<2x256xf32, #tpu.memory_space<vmem>>
        %dma_start3A_63 = arith.constant 40960 : i32
        %dma_start3A_64 = arith.constant 0 : i32
        %dma_start3A_65 = tpu.memref_slice %arg4[%dma_start3A_63, %dma_start3A_64] : memref<40962x256xf32, #tpu.memory_space<hbm>> -> memref<2x256xf32, #tpu.memory_space<hbm>>
        %dma_start3A_66 = arith.constant 40960 : i32
        %dma_start3A_67 = arith.constant 0 : i32
        %dma_start3A_68 = tpu.memref_slice %arg4[%dma_start3A_66, %dma_start3A_67] : memref<40962x256xf32, #tpu.memory_space<hbm>> -> memref<2x256xf32, #tpu.memory_space<hbm>>
        %dma_start3A_69 = arith.constant 0 : i32
        %dma_start3A_70 = arith.constant 0 : i32
        %dma_start3A_71 = tpu.memref_slice %arg8[%dma_start3A_69, %dma_start3A_70] : memref<16x256xf32, #tpu.memory_space<vmem>> -> memref<2x256xf32, #tpu.memory_space<vmem>>
        tpu.enqueue_dma source(%dma_start3A_71 : memref<2x256xf32, #tpu.memory_space<vmem>>) target(%dma_start3A_68 : memref<2x256xf32, #tpu.memory_space<hbm>>) target_semaphore(%run_scoped3A : memref<!tpu.dma_semaphore, #tpu.memory_space<semaphore_mem>>)
        %dma_wait3A_72 = arith.constant 0 : i32
        %dma_wait3A_73 = arith.constant 0 : i32
        %dma_wait3A_74 = tpu.memref_slice %arg8[%dma_wait3A_72, %dma_wait3A_73] : memref<16x256xf32, #tpu.memory_space<vmem>> -> memref<2x256xf32, #tpu.memory_space<vmem>>
        %dma_wait3A_75 = arith.constant 40960 : i32
        %dma_wait3A_76 = arith.constant 0 : i32
        %dma_wait3A_77 = tpu.memref_slice %arg4[%dma_wait3A_75, %dma_wait3A_76] : memref<40962x256xf32, #tpu.memory_space<hbm>> -> memref<2x256xf32, #tpu.memory_space<hbm>>
        %dma_wait3A_78 = arith.constant 40960 : i32
        %dma_wait3A_79 = arith.constant 0 : i32
        %dma_wait3A_80 = tpu.memref_slice %arg4[%dma_wait3A_78, %dma_wait3A_79] : memref<40962x256xf32, #tpu.memory_space<hbm>> -> memref<2x256xf32, #tpu.memory_space<hbm>>
        %dma_wait3A_81 = arith.constant 0 : i32
        %dma_wait3A_82 = arith.constant 0 : i32
        %dma_wait3A_83 = tpu.memref_slice %arg8[%dma_wait3A_81, %dma_wait3A_82] : memref<16x256xf32, #tpu.memory_space<vmem>> -> memref<2x256xf32, #tpu.memory_space<vmem>>
        tpu.wait_dma2 semaphore(%run_scoped3A : memref<!tpu.dma_semaphore, #tpu.memory_space<semaphore_mem>>) src(%dma_wait3A_83 : memref<2x256xf32, #tpu.memory_space<vmem>>) dst(%dma_wait3A_80 : memref<2x256xf32, #tpu.memory_space<hbm>>)
        tpu.yield
      }) : () -> ()
    } else {
    }
    return
  }
}

</mosaic_0001>

<sc_bundles>
// kernel: kernel.3.cloned.1.call-start
scs
__scs_entry_jumppad:
0x0: {  	(pc) =	sbr.rel $0x88, $3  }
0x1: {  	(tag) =	ssettag $0x0;
	lr =	simm.s32 $0x1  }
0x2: {  	[smem:$0x3F9F] =	sst lr;
	_ =	strace $0xD0000000  }
0x3: {  	_ = 	snop  }
0x4: {  	_ = 	snop  }
0x5: {  	_ = 	snop  }
0x6: {  	_ = 	snop  }
0x7: {  	_ = 	snop  }
__scs_overlays_trampoline_lowered:
0x8: {  	[smem:$0x3FAE] =	sst s0  }
0x9: {  	[smem:$0x3FAF] =	sst s1  }
0xa: {  	[smem:$0x3FB0] =	sst s2  }
0xb: {  	[smem:$0x3FB1] =	sst s3  }
0xc: {  	[smem:$0x3FB2] =	sst s4  }
0xd: {  	[smem:$0x3FB3] =	sst s5  }
0xe: {  	[smem:$0x3FB4] =	sst s6  }
0xf: {  	[smem:$0x3FB5] =	sst s7  }
0x10: {  	[smem:$0x3FB6] =	sst s8  }
0x11: {  	[smem:$0x3FB7] =	sst s9;
	s0 =	simm.s32 @!p0 $0x0  }
0x12: {  	s1 =	sld [smem:$0x3F9D];
	s0 =	simm.s32 @p0 $0x1  }
0x13: {  	[smem:$0x3FB8] =	sst s0;
	s0 =	simm.s32 @!p1 $0x0  }
0x14: {  	s2 =	sld [smem:$0x3F9C];
	s0 =	simm.s32 @p1 $0x1  }
0x15: {  	[smem:$0x3FB9] =	sst s0;
	s0 =	simm.s32 @!p2 $0x0  }
0x16: {  	s3 =	sld [smem:$0x3FDB];
	s0 =	simm.s32 @p2 $0x1  }
0x17: {  	s4 =	simm.s32 $0x1BF5;
	[smem:$0x3FBB] =	sst s0  }
0x18: {  	s0 =	sld [smem:$0x3F9E];
	_ =	swait.ge [sflag:s4], $0x0  }
0x19: {  	s7 =	sld [smem:$0x3F9F]  }
0x1a: {  	s8 =	sadd.s32 $0xFFFFE003, lr  }
0x1b: {  	s9 =	sadd.s32 $0xFFFFFEF7, lr;
	s5 =	simm.s32 $0xFFFFFFFF;
	p2 =	slt.u32 s8, $0xFFFFF086  }
0x1c: {  	p1 =	slt.u32 s9, $0xF7A;
	s5 =	simm.s32 @!p2 $0x0  }
0x1d: {  	s5 =	simm.s32 @p1 $0x1;
	p0 =	seq.s32 s7, s2  }
0x1e: {  	s7 =	smul.u32 @!p0 $0xF7A, s2;
	p2 =	seq.s32 @!p0 s5, $0x0  }
0x1f: {  	s9 =	smul.u32 $0xF7A, s1;
	s8 =	simm.s32 @!p0 $0x1BF5;
	p2 =	por !p2, p0  }
0x20: {  	[sflag:s8] =	ssyncset.s32 @!p0 $0xFFFFF086;
	s6 =	sadd.s32 @!p0 s3, s7;
	s7 =	simm.s32 @!p0 $0x108  }
0x21: {  	s3 =	sadd.s32 s3, s9;
	s6 =	sadd.s32 @!p0 $0x88, s6;
	s7 =	simm.s32 @p2 $0x1082  }
0x22: {  	[simem:s7], [sflag:s8] =	dma.local @!p0 [hbm:s6], $0xF7A  }
0x23: {  	s9 =	sor.u32 $0xD0000000, s2;
	s6 =	simm.s32 $0x108;
	_ =	swait.ge @!p0 [sflag:s8], $0x0  }
0x24: {  	s3 =	sadd.s32 $0x88, s3;
	s6 =	simm.s32 @!p1 $0x1082;
	[sflag:s4] =	ssyncset.s32 $0xFFFFF086  }
0x25: {  	[simem:s6], [sflag:s4] =	dma.local [hbm:s3], $0xF7A  }
0x26: {  	[smem:$0x3F9F] =	sst s1;
	(tag) =	ssettag s2;
	_ =	strace s9  }
0x27: {  	s1 =	sld [smem:$0x3FAF]  }
0x28: {  	s2 =	sld [smem:$0x3FB0]  }
0x29: {  	s4 =	sld [smem:$0x3FB2]  }
0x2a: {  	p0 =	seq.s32 s5, $0x0;
	s5 =	sld [smem:$0x3FB3]  }
0x2b: {  	s6 =	sld [smem:$0x3FB4]  }
0x2c: {  	s7 =	sld [smem:$0x3FB5]  }
0x2d: {  	s3 =	simm.s32 $0x108;
	s8 =	sld [smem:$0x3FB6]  }
0x2e: {  	s3 =	simm.s32 @!p0 $0x1082;
	s9 =	sld [smem:$0x3FB7]  }
0x2f: {  	lr =	sadd.s32 s0, s3;
	s0 =	sld [smem:$0x3FAE]  }
0x30: {  	s3 =	sld [smem:$0x3FB1]  }
0x31: {  	[smem:$0x3FBA] =	sst s10  }
0x32: {  	s10 =	sld [smem:$0x3FB8];
	_ =	sdelay $0x3  }
0x33: {  	p0 =	seq.s32 s10, $0x1;
	s10 =	sld [smem:$0x3FBA];
	_ =	sdelay $0x3  }
0x34: {  	[smem:$0x3FBA] =	sst s10  }
0x35: {  	s10 =	sld [smem:$0x3FB9];
	_ =	sdelay $0x3  }
0x36: {  	p1 =	seq.s32 s10, $0x1;
	s10 =	sld [smem:$0x3FBA];
	_ =	sdelay $0x3  }
0x37: {  	[smem:$0x3FBA] =	sst s10  }
0x38: {  	s10 =	sld [smem:$0x3FBB]  }
0x39: {  	_ = 	snop;
	(pc) =	sbr.ind lr, $3  }
0x3a: {  	_ = 	snop  }
0x3b: {  	_ = 	snop  }
0x3c: {  	p2 =	seq.s32 s10, $0x1;
	s10 =	sld [smem:$0x3FBA]  }
0x3d: {  	_ =	shalt  }
0x3e: {  	_ =	shalt  }
0x3f: {  	_ =	shalt  }
0x40: {  	_ =	shalt  }
0x41: {  	_ =	shalt  }
0x42: {  	_ =	shalt  }
0x43: {  	_ =	shalt  }
0x44: {  	_ =	shalt  }
0x45: {  	_ =	shalt  }
0x46: {  	_ =	shalt  }
0x47: {  	_ =	shalt  }
0x48: {  	_ =	shalt  }
0x49: {  	_ =	shalt  }
0x4a: {  	_ =	shalt  }
0x4b: {  	_ =	shalt  }
0x4c: {  	_ =	shalt  }
0x4d: {  	_ =	shalt  }
0x4e: {  	_ =	shalt  }
0x4f: {  	_ =	shalt  }
0x50: {  	_ =	shalt  }
0x51: {  	_ =	shalt  }
0x52: {  	_ =	shalt  }
0x53: {  	_ =	shalt  }
0x54: {  	_ =	shalt  }
0x55: {  	_ =	shalt  }
0x56: {  	_ =	shalt  }
0x57: {  	_ =	shalt  }
0x58: {  	_ =	shalt  }
0x59: {  	_ =	shalt  }
0x5a: {  	_ =	shalt  }
0x5b: {  	_ =	shalt  }
0x5c: {  	_ =	shalt  }
0x5d: {  	_ =	shalt  }
0x5e: {  	_ =	shalt  }
0x5f: {  	_ =	shalt  }
0x60: {  	_ =	shalt  }
0x61: {  	_ =	shalt  }
0x62: {  	_ =	shalt  }
0x63: {  	_ =	shalt  }
0x64: {  	_ =	shalt  }
0x65: {  	_ =	shalt  }
0x66: {  	_ =	shalt  }
0x67: {  	_ =	shalt  }
0x68: {  	_ =	shalt  }
0x69: {  	_ =	shalt  }
0x6a: {  	_ =	shalt  }
0x6b: {  	_ =	shalt  }
0x6c: {  	_ =	shalt  }
0x6d: {  	_ =	shalt  }
0x6e: {  	_ =	shalt  }
0x6f: {  	_ =	shalt  }
0x70: {  	_ =	shalt  }
0x71: {  	_ =	shalt  }
0x72: {  	_ =	shalt  }
0x73: {  	_ =	shalt  }
0x74: {  	_ =	shalt  }
0x75: {  	_ =	shalt  }
0x76: {  	_ =	shalt  }
0x77: {  	_ =	shalt  }
0x78: {  	_ =	shalt  }
0x79: {  	_ =	shalt  }
0x7a: {  	_ =	shalt  }
0x7b: {  	_ =	shalt  }
0x7c: {  	_ =	shalt  }
0x7d: {  	_ =	shalt  }
0x7e: {  	_ =	shalt  }
0x7f: {  	_ =	shalt  }
0x80: {  	_ =	shalt  }
0x81: {  	_ =	shalt  }
0x82: {  	_ =	shalt  }
0x83: {  	_ =	shalt  }
0x84: {  	_ =	shalt  }
0x85: {  	_ =	shalt  }
0x86: {  	_ =	shalt  }
0x87: {  	_ =	shalt  }
.Lfunc_end0:
.L_simem_size_0:
called_computation_lowered:
.L_overlay_start_0:
0x88: {  	s2 =	sld [smem:$0x3FD9]  }
0x89: {  	s3 =	sld [smem:$0x3FFE];
	_ =	sdelay $0x1  }
0x8a: {  	s1 =	srdreg.scid  }
0x8b: {  	s0 =	sand.u32 $0x1, s1  }
0x8c: {  	s17 =	sshll.u32 s0, $0xA;
	s2 =	sadd.s32 s3, s2  }
0x8d: {  	s2 =	sadd.s32 s2, s17  }
0x8e: {  	[smem:$0x3FC6] =	sst s2  }
0x8f: {  	_ = 	snop  }
0x90: {  	s2 =	sld [smem:$0x3FC9]  }
0x91: {  	s18 =	sld [smem:$0x3FD0];
	(tm) =	ssettm $0x1  }
0x92: {  	s4 =	sld [smem:$0x3FFB];
	_ =	sdelay $0x3  }
0x93: {  	_ =	strace s4  }
0x94: {  	s4 =	sld [smem:$0x3FFC];
	_ =	sdelay $0x3  }
0x95: {  	_ =	strace s4  }
0x96: {  	s4 =	sld [smem:$0x3FFD];
	_ =	sdelay $0x3  }
0x97: {  	_ =	strace s4  }
0x98: {  	_ =	strace $0x8FFFFFFF  }
0x99: {  	s19 =	sld [smem:$0x3FDB];
	_ =	sdelay $0x1  }
0x9a: {  	s5 =	simm.s32 $_scs_section_size  }
0x9b: {  	s6 =	simm.s32 $_size__tile_overlayer_lowered;
	s7 =	simm.s32 $_tile_overlayer_lowered  }
0x9c: {  	s22 =	simm.s32 $0x1BFF;
	s21 =	sshll.u32 s7, $0x1;
	s4 =	sadd.s32 s5, s19  }
0x9d: {  	s8 =	simm.s32 $0x0;
	s20 =	sshll.u32 s6, $0x1;
	s6 =	sadd.s32 s21, s4  }
0x9e: {  	[timem:s8], [sflag:s22] =	dma.local [hbm:s6], s20  }
0x9f: {  	_ =	swait.ge [sflag:s22], s20  }
0xa0: {  	s5 =	ssub.s32 $0x0, s20;
	[sflag:s22] =	ssyncset.done $0x0  }
0xa1: {  	[sflag:s22] =	ssyncadd.s32 s5;
	_ =	sdelay $0x1  }
0xa2: {  	s23 =	simm.s32 $0x1B8B  }
0xa3: {  	_ =	swait.ge [sflag:s23], $0x1  }
0xa4: {  	[sflag:s23] =	ssyncset.done $0x0  }
0xa5: {  	s25 =	simm.s32 $0x1B8E;
	s24 =	sld [smem:$0x3FFE];
	[sflag:s23] =	ssyncadd.s32 $0xFFFFFFFF  }
0xa6: {  	s26 =	simm.s32 $execute0_lowered;
	[smem:$0x3FD2] =	sst s25  }
0xa7: {  	s6 =	sshll.u32 s26, $0x1;
	_ =	strace $0x80000046;
	[dreg:$0x1] =	wrdreg $0xFFFFFFFF  }
0xa8: {  	s28 =	simm.s32 $_size_execute0_lowered;
	s4 =	sadd.s32 s4, s6;
	[dreg:$0x0] =	wrdreg $0x0  }
0xa9: {  	s6 =	sshll.u32 s28, $0x1;
	[dreg:$0x2] =	wrdreg s4  }
0xaa: {  	[dreg:$0x3] =	wrdreg s6  }
0xab: {  	[dreg:$0x4] =	wrdreg $0xC0  }
0xac: {  	_ =	task [dreg:s8], $0x5FFFF  }
0xad: {  	[dreg:$0x1] =	wrdreg $0xFFFFFFFF  }
0xae: {  	[dreg:$0x0] =	wrdreg $0x60  }
0xaf: {  	[dreg:$0x2] =	wrdreg s2  }
0xb0: {  	[dreg:$0x3] =	wrdreg s24  }
0xb1: {  	[dreg:$0x4] =	wrdreg s18  }
0xb2: {  	[dreg:$0x5] =	wrdreg $0x9  }
0xb3: {  	_ =	task.clear_ibuf [dreg:s8], $0x6FFFF;
	_ =	strace $0x90000046  }
0xb4: {  	s29 =	simm.s32 $0x9;
	_ =	strace $0x80000048  }
0xb5: {  	_ =	swait.ge [sflag:s29], $0x1  }
0xb6: {  	[sflag:s29] =	ssyncadd.s32 $0xFFFFFFFF  }
0xb7: {  	_ =	strace $0x90000048  }
0xb8: {  	_ =	sfence  }
0xb9: {  	s30 =	sld [smem:$0x0];
	_ =	sdelay $0x2  }
0xba: {  	s31 =	sshll.u32 s1, $0xD;
	s1 =	sshrl.u32 s1, $0x2  }
0xbb: {  	s3 =	sand.u32 $0x4000, s31;
	s1 =	sadd.s32 s1, s30  }
0xbc: {  	s0 =	sor.u32 s3, s0;
	s1 =	sshll.u32 s1, $0x11  }
0xbd: {  	s0 =	sor.u32 s1, s0  }
0xbe: {  	s0 =	sadd.s32 $0x8F2B, s0  }
0xbf: {  	[sflag:s0] =	ssyncadd.remote.s32 $0x1  }
0xc0: {  	_ =	sfence.sel $0xFFFF  }
0xc1: {  	[dreg:$0x0] =	wrdreg $0xFFFFFFFF;
	(pc) =	sbr.abs _section_cstart, $3  }
0xc2: {  	[dreg:$0x1] =	wrdreg $0xFFFFFFFF  }
0xc3: {  	_ =	task.clear_ibuf [dreg:s8], $0x2FFFF;
	_ =	strace $0x9FFFFFFF  }
0xc4: {  	(tm) =	ssettm $0x7FFFFFFF  }
0xc5: {  	_ =	shalt  }
tec
execute0_lowered:
.L_overlay_start_1:
0x0: {  	(tag) =	ssettag $0x1  }
0x1: {  	s1 =	rddreg [dreg:$0x0]  }
0x2: {  	s0 =	rddreg [dreg:$0x1];
	s2 =	srdreg.scid  }
0x3: {  	s4 =	stileid.u32;
	s3 =	rddreg [dreg:$0x2]  }
0x4: {  	s11 =	simm.s32 $0x2300;
	s25 =	simm.s32 $0x9300;
	s9 =	simm.s32 $0xEB00  }
0x5: {  	s10 =	simm.s32 $0xF300;
	s13 =	simm.s32 $0xFB00;
	s14 =	simm.s32 $0x1  }
0x6: {  	s15 =	simm.s32 $0x10300;
	s16 =	simm.s32 $0x2;
	s17 =	simm.s32 $0x4  }
0x7: {  	s2 =	sand.u32 $0x1, s2;
	s5 =	sshll.u32 s4, $0x1;
	s4 =	simm.s32 $0x0  }
0x8: {  	s30 =	sadd.s32 $0x140000, s3;
	s6 =	sor.u32 s2, s5;
	[smem:$0x7FF] =	sst s4  }
0x9: {  	s2 =	ssub.s32 $0x2, s2;
	s5 =	smul.u32 $0x460, s6;
	_ =	strace $0x80000047  }
.Ltmp0:
0xa: {  	v3 =	vlaneseq.u32;
	vm0 =	vmmov $0xffff;
	s7 =	sshrl.u32 s2, $0x1;
	[dreg:$0x6] =	wrdreg s30;
	(pc) =	sbr.rel .LBB2_1-.Ltmp0, $4  }
0xb: {  	vm1 =	vmmov $0x3fff;
	v2 =	vshrl.u32 v3, $0x3;
	v1 =	vmul.u32 $0x7, v3;
	s2 =	ssub.s32 s2, s7;
	s8 =	sadd.s32 s5, s0;
	s0 =	sadd.s32 $0x9000, s0  }
0xc: {  	s18 =	simm.s32 $0x11300;
	v0 =	vand.u32 $0x7, v3;
	v3 =	vor.u32 $0x8, v3;
	v2 =	vmul.u32 $0x8, v2;
	s31 =	smax.u32 s2, $0x1;
	[dreg:$0x5] =	wrdreg s0  }
0xd: {  	p0 =	sne.s32 s6, $0x0;
	v4 =	vadd.s32 $0x1, v1;
	v5 =	vadd.s32 $0x2, v1;
	v6 =	vadd.s32 $0x3, v1;
	s29 =	sadd.s32 $0x400, s8;
	[dreg:$0x7] =	wrdreg s31  }
0xe: {  	v7 =	vadd.s32 $0x4, v1;
	v8 =	vadd.s32 $0x5, v1;
	v9 =	vadd.s32 $0x6, v1;
	s5 =	smul.u32 $0x50, s6;
	s2 =	simm.s32 $0x0;
	[dreg:$0x4] =	wrdreg s29  }
.LBB2_19:
0xf: {  	s2 =	sadd.s32 $0x1, s2;
	s0 =	rddreg [dreg:$0x7]  }
0x10: {  	p1 =	sne.s32 s2, s0  }
.Ltmp1:
0x11: {  	_ = 	snop;
	(pc) =	sbr.rel @!p1 .LBB2_20-.Ltmp1, $1  }
0x12: {  	_ =	sdelay $0x3  }
.LBB2_1:
0x13: {  	[dreg:$0x8] =	wrdreg s2  }
0x14: {  	s0 =	rddreg [dreg:$0x4];
	s7 =	simm.s32 $0x5  }
0x15: {  	[tilespmem:s4], [sflag:$0x5] =	stream.linear.gather [hbm4b:s0+s4], $0x2300, $0x38;
	[tilespmem:$0x12300] =	vst v63  }
0x16: {  	_ =	swait.ge [sflag:s7], $0x2300  }
0x17: {  	[sflag:s7] =	ssyncset.done $0x0  }
0x18: {  	[sflag:s7] =	ssyncadd.s32 $0xFFFFDD00  }
0x19: {  	v10 =	vld [tilespmem:$0x0];
	_ =	sdelay $0x4  }
0x1a: {  	v11 =	vshll.u32 v10, $0x1  }
0x1b: {  	v10 =	vand.u32 $0x7, v10;
	v11 =	vand.u32 $0xFFFFFFF0, v11  }
0x1c: {  	v10 =	vor.u32 v10, v11  }
0x1d: {  	v11 =	vperm.xlane v10, v0;
	_ =	sdelay $0x1  }
0x1e: {  	v10 =	vperm.xlane v10, v3;
	v11 =	vadd.s32 v2, v11;
	_ =	sdelay $0x1  }
0x1f: {  	v10 =	vadd.s32 v2, v10;
	_ =	sdelay $0x2  }
0x20: {  	[tilespmem:s11], [sflag:$0x1] =	stream.indirect_vreg.gather [hbm4b:s1+s4], $0x80, v11, vm0, $0xb8;
	[tilespmem:$0x12300] =	vst v63  }
0x21: {  	s8 =	simm.s32 $0x2B00  }
0x22: {  	[tilespmem:s8], [sflag:$0x1] =	stream.indirect_vreg.gather [hbm4b:s1+s4], $0x80, v10, vm0, $0xb8;
	[tilespmem:$0x12300] =	vst v63  }
0x23: {  	v10 =	vld [tilespmem:$0x10];
	_ =	sdelay $0x4  }
0x24: {  	v11 =	vshll.u32 v10, $0x1  }
0x25: {  	v10 =	vand.u32 $0x7, v10;
	v11 =	vand.u32 $0xFFFFFFF0, v11  }
0x26: {  	v10 =	vor.u32 v10, v11  }
0x27: {  	v11 =	vperm.xlane v10, v0;
	_ =	sdelay $0x1  }
0x28: {  	v10 =	vperm.xlane v10, v3;
	v11 =	vadd.s32 v2, v11;
	_ =	sdelay $0x1  }
0x29: {  	v10 =	vadd.s32 v2, v10;
	_ =	sdelay $0x1  }
0x2a: {  	s12 =	simm.s32 $0x3300  }
0x2b: {  	[tilespmem:s12], [sflag:$0x1] =	stream.indirect_vreg.gather [hbm4b:s1+s4], $0x80, v11, vm0, $0xb8;
	[tilespmem:$0x12300] =	vst v63  }
0x2c: {  	s19 =	simm.s32 $0x3B00  }
0x2d: {  	[tilespmem:s19], [sflag:$0x1] =	stream.indirect_vreg.gather [hbm4b:s1+s4], $0x80, v10, vm0, $0xb8;
	[tilespmem:$0x12300] =	vst v63  }
0x2e: {  	v10 =	vld [tilespmem:$0x20];
	_ =	sdelay $0x4  }
0x2f: {  	v11 =	vshll.u32 v10, $0x1  }
0x30: {  	v10 =	vand.u32 $0x7, v10;
	v11 =	vand.u32 $0xFFFFFFF0, v11  }
0x31: {  	v10 =	vor.u32 v10, v11  }
0x32: {  	v11 =	vperm.xlane v10, v0;
	_ =	sdelay $0x1  }
0x33: {  	v10 =	vperm.xlane v10, v3;
	v11 =	vadd.s32 v2, v11;
	_ =	sdelay $0x1  }
0x34: {  	v10 =	vadd.s32 v2, v10;
	_ =	sdelay $0x1  }
0x35: {  	s20 =	simm.s32 $0x4300  }
0x36: {  	[tilespmem:s20], [sflag:$0x1] =	stream.indirect_vreg.gather [hbm4b:s1+s4], $0x80, v11, vm0, $0xb8;
	[tilespmem:$0x12300] =	vst v63  }
0x37: {  	s21 =	simm.s32 $0x4B00  }
0x38: {  	[tilespmem:s21], [sflag:$0x1] =	stream.indirect_vreg.gather [hbm4b:s1+s4], $0x80, v10, vm0, $0xb8;
	[tilespmem:$0x12300] =	vst v63  }
0x39: {  	v10 =	vld [tilespmem:$0x30];
	_ =	sdelay $0x4  }
0x3a: {  	v11 =	vshll.u32 v10, $0x1  }
0x3b: {  	v10 =	vand.u32 $0x7, v10;
	v11 =	vand.u32 $0xFFFFFFF0, v11  }
0x3c: {  	v10 =	vor.u32 v10, v11  }
0x3d: {  	v11 =	vperm.xlane v10, v0;
	_ =	sdelay $0x1  }
0x3e: {  	v10 =	vperm.xlane v10, v3;
	v11 =	vadd.s32 v2, v11;
	_ =	sdelay $0x1  }
0x3f: {  	v10 =	vadd.s32 v2, v10;
	_ =	sdelay $0x1  }
0x40: {  	s22 =	simm.s32 $0x5300  }
0x41: {  	[tilespmem:s22], [sflag:$0x1] =	stream.indirect_vreg.gather [hbm4b:s1+s4], $0x80, v11, vm0, $0xb8;
	[tilespmem:$0x12300] =	vst v63  }
0x42: {  	s23 =	simm.s32 $0x5B00  }
0x43: {  	[tilespmem:s23], [sflag:$0x1] =	stream.indirect_vreg.gather [hbm4b:s1+s4], $0x80, v10, vm0, $0xb8;
	[tilespmem:$0x12300] =	vst v63  }
0x44: {  	v10 =	vld [tilespmem:$0x40];
	_ =	sdelay $0x4  }
0x45: {  	v11 =	vshll.u32 v10, $0x1  }
0x46: {  	v10 =	vand.u32 $0x7, v10;
	v11 =	vand.u32 $0xFFFFFFF0, v11  }
0x47: {  	v10 =	vor.u32 v10, v11  }
0x48: {  	v11 =	vperm.xlane v10, v0;
	_ =	sdelay $0x1  }
0x49: {  	v10 =	vperm.xlane v10, v3;
	v11 =	vadd.s32 v2, v11;
	_ =	sdelay $0x1  }
0x4a: {  	v10 =	vadd.s32 v2, v10;
	_ =	sdelay $0x1  }
0x4b: {  	s24 =	simm.s32 $0x6300  }
0x4c: {  	[tilespmem:s24], [sflag:$0x1] =	stream.indirect_vreg.gather [hbm4b:s1+s4], $0x80, v11, vm0, $0xb8;
	[tilespmem:$0x12300] =	vst v63  }
0x4d: {  	s26 =	simm.s32 $0x6B00  }
0x4e: {  	[tilespmem:s26], [sflag:$0x1] =	stream.indirect_vreg.gather [hbm4b:s1+s4], $0x80, v10, vm0, $0xb8;
	[tilespmem:$0x12300] =	vst v63  }
0x4f: {  	v10 =	vld [tilespmem:$0x50];
	_ =	sdelay $0x4  }
0x50: {  	v11 =	vshll.u32 v10, $0x1  }
0x51: {  	v10 =	vand.u32 $0x7, v10;
	v11 =	vand.u32 $0xFFFFFFF0, v11  }
0x52: {  	v10 =	vor.u32 v10, v11  }
0x53: {  	v11 =	vperm.xlane v10, v0;
	_ =	sdelay $0x1  }
0x54: {  	v10 =	vperm.xlane v10, v3;
	v11 =	vadd.s32 v2, v11;
	_ =	sdelay $0x1  }
0x55: {  	v10 =	vadd.s32 v2, v10;
	_ =	sdelay $0x1  }
0x56: {  	s28 =	simm.s32 $0x7300  }
0x57: {  	[tilespmem:s28], [sflag:$0x1] =	stream.indirect_vreg.gather [hbm4b:s1+s4], $0x80, v11, vm0, $0xb8;
	[tilespmem:$0x12300] =	vst v63  }
0x58: {  	s29 =	simm.s32 $0x7B00  }
0x59: {  	[tilespmem:s29], [sflag:$0x1] =	stream.indirect_vreg.gather [hbm4b:s1+s4], $0x80, v10, vm0, $0xb8;
	[tilespmem:$0x12300] =	vst v63  }
0x5a: {  	v10 =	vld [tilespmem:$0x60];
	_ =	sdelay $0x4  }
0x5b: {  	v11 =	vshll.u32 v10, $0x1  }
0x5c: {  	v10 =	vand.u32 $0x7, v10;
	v11 =	vand.u32 $0xFFFFFFF0, v11  }
0x5d: {  	v10 =	vor.u32 v10, v11  }
0x5e: {  	v11 =	vperm.xlane v10, v0;
	_ =	sdelay $0x1  }
0x5f: {  	v10 =	vperm.xlane v10, v3;
	v11 =	vadd.s32 v2, v11;
	_ =	sdelay $0x1  }
0x60: {  	v10 =	vadd.s32 v2, v10;
	_ =	sdelay $0x1  }
0x61: {  	s30 =	simm.s32 $0x8300  }
0x62: {  	[tilespmem:s30], [sflag:$0x1] =	stream.indirect_vreg.gather [hbm4b:s1+s4], $0x80, v11, vm0, $0xb8;
	[tilespmem:$0x12300] =	vst v63  }
0x63: {  	s31 =	simm.s32 $0x8B00;
	s19 =	simm.s32 $0x0  }
0x64: {  	[tilespmem:s31], [sflag:$0x1] =	stream.indirect_vreg.gather [hbm4b:s1+s4], $0x80, v10, vm0, $0xb8;
	[tilespmem:$0x12300] =	vst v63  }
.LBB2_2:
0x65: {  	s20 =	sshllo.u32 s19, $0x1  }
0x66: {  	s0 =	smul.u32 $0x1C0, s20;
	_ =	sdelay $0x1  }
0x67: {  	s0 =	sshra.s32 s0, $0x2  }
0x68: {  	v10 =	vld [tilespmem:s0+$0x0];
	_ =	sdelay $0x4  }
0x69: {  	v11 =	vshll.u32 v10, $0x1  }
0x6a: {  	v10 =	vand.u32 $0x7, v10;
	v11 =	vand.u32 $0xFFFFFFF0, v11  }
0x6b: {  	v10 =	vor.u32 v10, v11  }
0x6c: {  	v11 =	vperm.xlane v10, v0;
	_ =	sdelay $0x1  }
0x6d: {  	v10 =	vperm.xlane v10, v3;
	v11 =	vadd.s32 v2, v11;
	_ =	sdelay $0x1  }
0x6e: {  	v10 =	vadd.s32 v2, v10;
	_ =	sdelay $0x2  }
0x6f: {  	[tilespmem:s25], [sflag:$0x2] =	stream.indirect_vreg.gather [hbm4b:s1+s4], $0x80, v11, vm0, $0xb8;
	[tilespmem:$0x12300] =	vst v63  }
0x70: {  	s2 =	simm.s32 $0x9B00  }
0x71: {  	[tilespmem:s2], [sflag:$0x2] =	stream.indirect_vreg.gather [hbm4b:s1+s4], $0x80, v10, vm0, $0xb8;
	[tilespmem:$0x12300] =	vst v63  }
0x72: {  	v10 =	vld [tilespmem:s0+$0x10];
	_ =	sdelay $0x4  }
0x73: {  	v11 =	vshll.u32 v10, $0x1  }
0x74: {  	v10 =	vand.u32 $0x7, v10;
	v11 =	vand.u32 $0xFFFFFFF0, v11  }
0x75: {  	v10 =	vor.u32 v10, v11  }
0x76: {  	v11 =	vperm.xlane v10, v0;
	_ =	sdelay $0x1  }
0x77: {  	v10 =	vperm.xlane v10, v3;
	v11 =	vadd.s32 v2, v11;
	_ =	sdelay $0x1  }
0x78: {  	v10 =	vadd.s32 v2, v10;
	_ =	sdelay $0x1  }
0x79: {  	s21 =	simm.s32 $0xA300  }
0x7a: {  	[tilespmem:s21], [sflag:$0x2] =	stream.indirect_vreg.gather [hbm4b:s1+s4], $0x80, v11, vm0, $0xb8;
	[tilespmem:$0x12300] =	vst v63  }
0x7b: {  	s22 =	simm.s32 $0xAB00  }
0x7c: {  	[tilespmem:s22], [sflag:$0x2] =	stream.indirect_vreg.gather [hbm4b:s1+s4], $0x80, v10, vm0, $0xb8;
	[tilespmem:$0x12300] =	vst v63  }
0x7d: {  	v10 =	vld [tilespmem:s0+$0x20];
	_ =	sdelay $0x4  }
0x7e: {  	v11 =	vshll.u32 v10, $0x1  }
0x7f: {  	v10 =	vand.u32 $0x7, v10;
	v11 =	vand.u32 $0xFFFFFFF0, v11  }
0x80: {  	v10 =	vor.u32 v10, v11  }
0x81: {  	v11 =	vperm.xlane v10, v0;
	_ =	sdelay $0x1  }
0x82: {  	v10 =	vperm.xlane v10, v3;
	v11 =	vadd.s32 v2, v11;
	_ =	sdelay $0x1  }
0x83: {  	v10 =	vadd.s32 v2, v10;
	_ =	sdelay $0x1  }
0x84: {  	s23 =	simm.s32 $0xB300  }
0x85: {  	[tilespmem:s23], [sflag:$0x2] =	stream.indirect_vreg.gather [hbm4b:s1+s4], $0x80, v11, vm0, $0xb8;
	[tilespmem:$0x12300] =	vst v63  }
0x86: {  	s24 =	simm.s32 $0xBB00  }
0x87: {  	[tilespmem:s24], [sflag:$0x2] =	stream.indirect_vreg.gather [hbm4b:s1+s4], $0x80, v10, vm0, $0xb8;
	[tilespmem:$0x12300] =	vst v63  }
0x88: {  	v10 =	vld [tilespmem:s0+$0x30];
	_ =	sdelay $0x4  }
0x89: {  	v11 =	vshll.u32 v10, $0x1  }
0x8a: {  	v10 =	vand.u32 $0x7, v10;
	v11 =	vand.u32 $0xFFFFFFF0, v11  }
0x8b: {  	v10 =	vor.u32 v10, v11  }
0x8c: {  	v11 =	vperm.xlane v10, v0;
	_ =	sdelay $0x1  }
0x8d: {  	v10 =	vperm.xlane v10, v3;
	v11 =	vadd.s32 v2, v11;
	_ =	sdelay $0x1  }
0x8e: {  	v10 =	vadd.s32 v2, v10;
	_ =	sdelay $0x1  }
0x8f: {  	s26 =	simm.s32 $0xC300  }
0x90: {  	[tilespmem:s26], [sflag:$0x2] =	stream.indirect_vreg.gather [hbm4b:s1+s4], $0x80, v11, vm0, $0xb8;
	[tilespmem:$0x12300] =	vst v63  }
0x91: {  	s28 =	simm.s32 $0xCB00  }
0x92: {  	[tilespmem:s28], [sflag:$0x2] =	stream.indirect_vreg.gather [hbm4b:s1+s4], $0x80, v10, vm0, $0xb8;
	[tilespmem:$0x12300] =	vst v63  }
0x93: {  	v10 =	vld [tilespmem:s0+$0x40];
	_ =	sdelay $0x4  }
0x94: {  	v11 =	vshll.u32 v10, $0x1  }
0x95: {  	v10 =	vand.u32 $0x7, v10;
	v11 =	vand.u32 $0xFFFFFFF0, v11  }
0x96: {  	v10 =	vor.u32 v10, v11  }
0x97: {  	v11 =	vperm.xlane v10, v0;
	_ =	sdelay $0x1  }
0x98: {  	v10 =	vperm.xlane v10, v3;
	v11 =	vadd.s32 v2, v11;
	_ =	sdelay $0x1  }
0x99: {  	v10 =	vadd.s32 v2, v10;
	_ =	sdelay $0x1  }
0x9a: {  	s29 =	simm.s32 $0xD300  }
0x9b: {  	[tilespmem:s29], [sflag:$0x2] =	stream.indirect_vreg.gather [hbm4b:s1+s4], $0x80, v11, vm0, $0xb8;
	[tilespmem:$0x12300] =	vst v63  }
0x9c: {  	s30 =	simm.s32 $0xDB00  }
0x9d: {  	[tilespmem:s30], [sflag:$0x2] =	stream.indirect_vreg.gather [hbm4b:s1+s4], $0x80, v10, vm0, $0xb8;
	[tilespmem:$0x12300] =	vst v63  }
0x9e: {  	v10 =	vld [tilespmem:s0+$0x50];
	_ =	sdelay $0x4  }
0x9f: {  	v11 =	vshll.u32 v10, $0x1  }
0xa0: {  	v10 =	vand.u32 $0x7, v10;
	v11 =	vand.u32 $0xFFFFFFF0, v11  }
0xa1: {  	v10 =	vor.u32 v10, v11  }
0xa2: {  	v11 =	vperm.xlane v10, v0;
	_ =	sdelay $0x1  }
0xa3: {  	v10 =	vperm.xlane v10, v3;
	v11 =	vadd.s32 v2, v11;
	_ =	sdelay $0x1  }
0xa4: {  	v10 =	vadd.s32 v2, v10;
	_ =	sdelay $0x1  }
0xa5: {  	s31 =	simm.s32 $0xE300  }
0xa6: {  	[tilespmem:s31], [sflag:$0x2] =	stream.indirect_vreg.gather [hbm4b:s1+s4], $0x80, v11, vm0, $0xb8;
	[tilespmem:$0x12300] =	vst v63  }
0xa7: {  	_ = 	snop  }
0xa8: {  	[tilespmem:s9], [sflag:$0x2] =	stream.indirect_vreg.gather [hbm4b:s1+s4], $0x80, v10, vm0, $0xb8;
	[tilespmem:$0x12300] =	vst v63  }
0xa9: {  	v10 =	vld [tilespmem:s0+$0x60];
	_ =	sdelay $0x4  }
0xaa: {  	v11 =	vshll.u32 v10, $0x1  }
0xab: {  	v10 =	vand.u32 $0x7, v10;
	v11 =	vand.u32 $0xFFFFFFF0, v11  }
0xac: {  	v10 =	vor.u32 v10, v11  }
0xad: {  	v11 =	vperm.xlane v10, v0;
	_ =	sdelay $0x1  }
0xae: {  	v10 =	vperm.xlane v10, v3;
	v11 =	vadd.s32 v2, v11;
	_ =	sdelay $0x1  }
0xaf: {  	v10 =	vadd.s32 v2, v10;
	_ =	sdelay $0x2  }
0xb0: {  	[tilespmem:s10], [sflag:$0x2] =	stream.indirect_vreg.gather [hbm4b:s1+s4], $0x80, v11, vm0, $0xb8;
	[tilespmem:$0x12300] =	vst v63  }
0xb1: {  	_ = 	snop  }
0xb2: {  	[tilespmem:s13], [sflag:$0x2] =	stream.indirect_vreg.gather [hbm4b:s1+s4], $0x80, v10, vm0, $0xb8;
	[tilespmem:$0x12300] =	vst v63  }
0xb3: {  	_ =	swait.ge [sflag:s14], $0x7000  }
0xb4: {  	p1 =	seq.s32 s19, $0x0;
	[sflag:s14] =	ssyncset.done $0x0  }
0xb5: {  	s0 =	simm.s32 @!p1 $0x3;
	[sflag:s14] =	ssyncadd.s32 $0xFFFF9000  }
0xb6: {  	_ =	swait.ge @!p1 [sflag:s0], $0x1000  }
0xb7: {  	s21 =	sshll.u32 s19, $0x1;
	[sflag:s0] =	ssyncset.done @!p1 $0x0  }
0xb8: {  	s22 =	simm.s32 $0x0;
	s23 =	simm.s32 $0x0;
	[sflag:s0] =	ssyncadd.s32 @!p1 $0xFFFFF000  }
.LBB2_3:
0xb9: {  	s0 =	smul.u32 $0x70, s23;
	_ =	sdelay $0x1  }
0xba: {  	v10 =	vadd.s32 s0, v1  }
0xbb: {  	v11 =	vadd.s32 s0, v4;
	v12 =	vadd.s32 s0, v5;
	v13 =	vadd.s32 s0, v6  }
0xbc: {  	v14 =	vadd.s32 s0, v7;
	v15 =	vadd.s32 s0, v8;
	v17 =	vadd.s32 s0, v9  }
0xbd: {  	v16 =	vshrl.u32 v10, $0x8;
	v19 =	vshrl.u32 v11, $0x8;
	v20 =	vshrl.u32 v12, $0x8  }
0xbe: {  	v21 =	vshrl.u32 v13, $0x8;
	v22 =	vshrl.u32 v14, $0x8;
	v23 =	vshrl.u32 v15, $0x8  }
0xbf: {  	v24 =	vshrl.u32 v17, $0x8;
	v18 =	vand.u32 $0x7F, v10;
	v10 =	vshll.u32 v10, $0x3  }
0xc0: {  	v25 =	vand.u32 $0x7F, v11;
	v11 =	vshll.u32 v11, $0x3;
	v26 =	vand.u32 $0x7F, v12  }
0xc1: {  	v12 =	vshll.u32 v12, $0x3;
	v27 =	vand.u32 $0x7F, v13;
	v13 =	vshll.u32 v13, $0x3  }
0xc2: {  	v28 =	vand.u32 $0x7F, v14;
	v14 =	vshll.u32 v14, $0x3;
	v30 =	vand.u32 $0x7F, v15  }
0xc3: {  	v32 =	vand.u32 $0x7F, v17;
	v10 =	vand.u32 $0x400, v10;
	v11 =	vand.u32 $0x400, v11  }
0xc4: {  	s24 =	simm.s32 $0x15;
	s6 =	simm.s32 $0x0;
	v12 =	vand.u32 $0x400, v12;
	v13 =	vand.u32 $0x400, v13;
	v29 =	vand.u32 $0x400, v14  }
0xc5: {  	v14 =	vshll.u32 v15, $0x3;
	v43 =	vadd.s32 s24, v23;
	v45 =	vadd.s32 s6, v16  }
0xc6: {  	v46 =	vadd.s32 s6, v19;
	v47 =	vadd.s32 s6, v22;
	v36 =	vadd.s32 s6, v20  }
0xc7: {  	s7 =	simm.s32 $0x7;
	v38 =	vadd.s32 s6, v21;
	v51 =	vadd.s32 s6, v23;
	v41 =	vadd.s32 s6, v24  }
0xc8: {  	s2 =	sshll.u32 s23, $0x4;
	v57 =	vadd.s32 s7, v16;
	v59 =	vadd.s32 s7, v19;
	v31 =	vand.u32 $0x400, v14  }
0xc9: {  	s0 =	sand.u32 $0x70, s2;
	v14 =	vshll.u32 v17, $0x3;
	v18 =	vor.u32 v10, v18;
	v17 =	vor.u32 v11, v25  }
0xca: {  	v15 =	vor.u32 v12, v26;
	v10 =	vmov s0;
	v26 =	vadd.s32 s24, v21  }
0xcb: {  	v25 =	vadd.s32 s24, v16;
	v35 =	vshll.u32 v43, $0x8;
	v48 =	vshll.u32 v45, $0x8  }
0xcc: {  	v37 =	vshll.u32 v46, $0x7;
	v49 =	vshll.u32 v36, $0x7;
	v39 =	vshll.u32 v38, $0x8  }
0xcd: {  	v38 =	vshll.u32 v38, $0x7;
	v40 =	vshll.u32 v47, $0x8;
	v36 =	vshll.u32 v36, $0x8  }
0xce: {  	v52 =	vshll.u32 v51, $0x8;
	v54 =	vshll.u32 v41, $0x8;
	v55 =	vshll.u32 v41, $0x7  }
0xcf: {  	v58 =	vshll.u32 v57, $0x8;
	v41 =	vshll.u32 v59, $0x7;
	v33 =	vand.u32 $0x400, v14  }
0xd0: {  	v14 =	vor.u32 v13, v27;
	v13 =	vor.u32 v29, v28;
	v12 =	vor.u32 v31, v30  }
0xd1: {  	v28 =	vadd.s32 s24, v24;
	v27 =	vshll.u32 v26, $0x7;
	v29 =	vshll.u32 v25, $0x8  }
0xd2: {  	v25 =	vshll.u32 v25, $0x7;
	v30 =	vadd.s32 s24, v19;
	v31 =	vadd.s32 s24, v20  }
0xd3: {  	v26 =	vshll.u32 v26, $0x8;
	v35 =	vand.u32 $0x7FFFF800, v35;
	v37 =	vand.u32 $0x380, v37  }
0xd4: {  	v39 =	vand.u32 $0x7FFFF800, v39;
	v38 =	vand.u32 $0x380, v38;
	v50 =	vand.u32 $0x7FFFF800, v40  }
0xd5: {  	v36 =	vand.u32 $0x7FFFF800, v36;
	v40 =	vshll.u32 v51, $0x7;
	v56 =	vand.u32 $0x380, v55  }
0xd6: {  	v60 =	vand.u32 $0x380, v41;
	v11 =	vor.u32 v33, v32;
	v29 =	vand.u32 $0x7FFFF800, v29  }
0xd7: {  	v25 =	vand.u32 $0x380, v25;
	v42 =	vshll.u32 v31, $0x8;
	v31 =	vshll.u32 v31, $0x7  }
0xd8: {  	v26 =	vand.u32 $0x7FFFF800, v26;
	v27 =	vand.u32 $0x380, v27;
	v44 =	vshll.u32 v28, $0x8  }
0xd9: {  	v28 =	vshll.u32 v28, $0x7;
	v38 =	vor.u32 v39, v38;
	v53 =	vand.u32 $0x380, v40  }
0xda: {  	v39 =	vand.u32 $0x7FFFF800, v54;
	v40 =	vand.u32 $0x7FFFF800, v58;
	v58 =	vadd.s32 s7, v22  }
0xdb: {  	v25 =	vor.u32 v29, v25;
	v29 =	vshll.u32 v30, $0x8;
	v30 =	vshll.u32 v30, $0x7  }
0xdc: {  	v32 =	vand.u32 $0x7FFFF800, v42;
	v31 =	vand.u32 $0x380, v31;
	v26 =	vor.u32 v26, v27  }
0xdd: {  	v27 =	vadd.s32 s24, v22;
	v33 =	vand.u32 $0x7FFFF800, v44;
	v28 =	vand.u32 $0x380, v28  }
0xde: {  	v38 =	vor.u32 v14, v38;
	v42 =	vadd.s32 s7, v23;
	v44 =	vadd.s32 s7, v24  }
0xdf: {  	v29 =	vand.u32 $0x7FFFF800, v29;
	v30 =	vand.u32 $0x380, v30;
	v34 =	vshll.u32 v27, $0x8  }
0xe0: {  	v27 =	vshll.u32 v27, $0x7;
	v31 =	vor.u32 v32, v31;
	v28 =	vor.u32 v33, v28  }
0xe1: {  	v32 =	vshll.u32 v45, $0x7;
	v33 =	vshll.u32 v46, $0x8;
	v45 =	vshll.u32 v59, $0x8  }
0xe2: {  	v46 =	vadd.s32 s7, v21;
	v63 =	vshll.u32 v44, $0x8;
	v51 =	vshll.u32 v44, $0x7  }
0xe3: {  	v59 =	vshll.u32 v58, $0x8;
	v34 =	vand.u32 $0x7FFFF800, v34;
	v27 =	vand.u32 $0x380, v27  }
0xe4: {  	v29 =	vor.u32 v29, v30;
	v30 =	vshll.u32 v43, $0x7;
	v32 =	vand.u32 $0x380, v32  }
0xe5: {  	v33 =	vand.u32 $0x7FFFF800, v33;
	v43 =	vshll.u32 v42, $0x8;
	v45 =	vand.u32 $0x7FFFF800, v45  }
0xe6: {  	v42 =	vshll.u32 v42, $0x7;
	v27 =	vor.u32 v34, v27;
	v30 =	vand.u32 $0x380, v30  }
0xe7: {  	v34 =	vshll.u32 v47, $0x7;
	v33 =	vor.u32 v33, v37;
	v37 =	vor.u32 v39, v56  }
0xe8: {  	v43 =	vand.u32 $0x7FFFF800, v43;
	v39 =	vshll.u32 v57, $0x7;
	v47 =	vshll.u32 v46, $0x7  }
0xe9: {  	v46 =	vshll.u32 v46, $0x8;
	v56 =	vand.u32 $0x380, v51;
	v30 =	vor.u32 v35, v30  }
0xea: {  	v35 =	vand.u32 $0x7FFFF800, v48;
	v34 =	vand.u32 $0x380, v34;
	v33 =	vor.u32 v17, v33  }
0xeb: {  	v37 =	vor.u32 v11, v37;
	v39 =	vand.u32 $0x380, v39;
	v48 =	vadd.s32 s7, v20  }
0xec: {  	v61 =	vand.u32 $0x380, v47;
	v32 =	vor.u32 v35, v32;
	v35 =	vand.u32 $0x380, v49  }
0xed: {  	v34 =	vor.u32 v50, v34;
	v39 =	vor.u32 v40, v39;
	v62 =	vshll.u32 v48, $0x7  }
0xee: {  	v40 =	vor.u32 v45, v60;
	v32 =	vor.u32 v18, v32;
	v35 =	vor.u32 v36, v35  }
0xef: {  	s2 =	simm.s32 $0xE;
	v50 =	vand.u32 $0x380, v42;
	v57 =	vshll.u32 v48, $0x8;
	v35 =	vor.u32 v15, v35  }
0xf0: {  	v45 =	vadd.s32 s2, v21;
	v36 =	vand.u32 $0x7FFFF800, v52;
	v34 =	vor.u32 v13, v34  }
0xf1: {  	v47 =	vor.u32 v18, v39;
	v49 =	vor.u32 v17, v40;
	v39 =	vand.u32 $0x380, v62  }
0xf2: {  	v52 =	vand.u32 $0x7FFFF800, v46;
	v40 =	vor.u32 v43, v50;
	v36 =	vor.u32 v36, v53;
	v33 =	vld.idx.msk [tilespmem:v33+s11+$0x0], $0xffff  }
0xf3: {  	v62 =	vadd.s32 s2, v19;
	v53 =	vand.u32 $0x7FFFF800, v63;
	v36 =	vor.u32 v12, v36;
	v32 =	vld.idx.msk [tilespmem:v32+s11+$0x0], $0xffff  }
0xf4: {  	v55 =	vor.u32 v52, v61;
	v61 =	vadd.s32 s2, v16;
	v63 =	vadd.s32 s2, v22;
	v35 =	vld.idx.msk [tilespmem:v35+s11+$0x0], $0xffff  }
0xf5: {  	v38 =	vld.idx.msk [tilespmem:v38+s11+$0x0], $0xffff;
	v50 =	vshll.u32 v62, $0x7;
	v51 =	vshll.u32 v62, $0x8;
	v52 =	vadd.s32 s2, v20  }
0xf6: {  	v46 =	vshll.u32 v61, $0x8;
	v48 =	vshll.u32 v63, $0x7;
	v43 =	vand.u32 $0x380, v50;
	v34 =	vld.idx.msk [tilespmem:v34+s11+$0x0], $0xffff  }
0xf7: {  	v44 =	vand.u32 $0x7FFFF800, v51;
	v54 =	vld.idx.msk [tilespmem:v37+s11+$0x0], $0xffff;
	v37 =	vor.u32 v14, v55;
	v41 =	vand.u32 $0x7FFFF800, v46  }
0xf8: {  	v55 =	vshll.u32 v52, $0x7;
	v42 =	vand.u32 $0x380, v48;
	v36 =	vld.idx.msk [tilespmem:v36+s11+$0x0], $0xffff;
	v33 =	vmax.f32 v32, v33  }
0xf9: {  	v32 =	vor.u32 v12, v40;
	v40 =	vor.u32 v53, v56;
	v33 =	vmax.f32 v33, v35  }
0xfa: {  	v53 =	vor.u32 v44, v43;
	v33 =	vmax.f32 v33, v38;
	v38 =	vand.u32 $0x7FFFF800, v57  }
0xfb: {  	s8 =	sshll.u32 s23, $0x7;
	v57 =	vand.u32 $0x380, v55;
	v34 =	vmax.f32 v33, v34;
	v33 =	vor.u32 v11, v40  }
0xfc: {  	s0 =	sand.u32 $0x400, s8;
	v40 =	vshll.u32 v58, $0x7;
	v60 =	vor.u32 v38, v39;
	v39 =	vadd.s32 s2, v23  }
0xfd: {  	s12 =	sand.u32 $0x800, s22;
	s26 =	sor.u32 $0x10300, s0;
	s7 =	simm.s32 $0x0;
	v58 =	vadd.s32 s2, v24;
	v34 =	vmax.f32 v34, v36;
	v36 =	vand.u32 $0x7FFFF800, v59  }
0xfe: {  	s0 =	sadd.s32 s12, s26;
	s7 =	sand.u32 $0x200, s7;
	v40 =	vand.u32 $0x380, v40;
	v35 =	vor.u32 v15, v60;
	v59 =	vshll.u32 v58, $0x8  }
0xff: {  	s7 =	sadd.s32 s7, s0;
	v60 =	vshll.u32 v58, $0x7;
	v34 =	vmax.f32 v34, v54;
	v36 =	vor.u32 v36, v40  }
0x100: {  	v54 =	vshll.u32 v52, $0x8;
	v40 =	vshll.u32 v63, $0x8;
	v38 =	vor.u32 v13, v36;
	[tilespmem:v10+s7+$0x0 ss:$0x1] =	vst.idx.msk $0xffff, v34  }
0x101: {  	v62 =	vand.u32 $0x380, v60;
	v36 =	vshll.u32 v61, $0x7;
	v56 =	vand.u32 $0x7FFFF800, v40;
	v40 =	vld.idx.msk [tilespmem:v47+s11+$0x0], $0xffff  }
0x102: {  	v61 =	vand.u32 $0x7FFFF800, v59;
	v43 =	vand.u32 $0x7FFFF800, v54;
	v36 =	vand.u32 $0x380, v36;
	v44 =	vld.idx.msk [tilespmem:v37+s11+$0x0], $0xffff  }
0x103: {  	v42 =	vor.u32 v56, v42;
	v63 =	vor.u32 v43, v57;
	v36 =	vor.u32 v41, v36;
	v41 =	vld.idx.msk [tilespmem:v49+s11+$0x0], $0xffff  }
0x104: {  	s30 =	simm.s32 $0x180;
	s31 =	simm.s32 $0x0;
	s29 =	simm.s32 $0x80;
	v34 =	vor.u32 v13, v42;
	v37 =	vor.u32 v15, v63;
	v42 =	vld.idx.msk [tilespmem:v35+s11+$0x0], $0xffff;
	v35 =	vor.u32 v61, v62  }
0x105: {  	s28 =	simm.s32 $0x100;
	s12 =	simm.s32 $0x180;
	s2 =	simm.s32 $0x400;
	v36 =	vor.u32 v18, v36;
	v35 =	vor.u32 v11, v35;
	v43 =	vld.idx.msk [tilespmem:v38+s11+$0x0], $0xffff;
	v38 =	vor.u32 v17, v53  }
.LBB2_4:
0x106: {  	s31 =	sadd.s32 $0x4, s31;
	v46 =	vshll.u32 v39, $0x8;
	v39 =	vshll.u32 v39, $0x7;
	s30 =	sadd.s32 $0x200, s30;
	s24 =	sadd.s32 $0x1C, s24  }
0x107: {  	s8 =	sadd.s32 $0xFFFFFF00, s30;
	s7 =	sadd.s32 $0xFFFFFF80, s30;
	v47 =	vadd.s32 s24, v21;
	v48 =	vadd.s32 s24, v24;
	p2 =	slt.u32 s31, $0xC;
	v46 =	vand.u32 $0x7FFFF800, v46  }
0x108: {  	v49 =	vshll.u32 v45, $0x8;
	v39 =	vand.u32 $0x380, v39;
	v32 =	vld.idx.msk [tilespmem:v32+s11+$0x0], $0xffff  }
0x109: {  	s6 =	sand.u32 $0x280, s29;
	v45 =	vshll.u32 v45, $0x7;
	v49 =	vand.u32 $0x7FFFF800, v49;
	v39 =	vor.u32 v46, v39;
	s29 =	smov.u32 s8;
	v33 =	vld.idx.msk [tilespmem:v33+s11+$0x0], $0xffff  }
0x10a: {  	v40 =	vmax.f32 v40, v41;
	s6 =	sadd.s32 s6, s0;
	v41 =	vand.u32 $0x380, v45;
	v46 =	vshll.u32 v47, $0x7  }
0x10b: {  	v45 =	vadd.s32 s24, v16;
	v50 =	vadd.s32 s24, v19;
	v40 =	vmax.f32 v40, v42  }
0x10c: {  	v42 =	vshll.u32 v45, $0x8;
	v45 =	vshll.u32 v45, $0x7;
	v40 =	vmax.f32 v40, v44  }
0x10d: {  	v41 =	vor.u32 v49, v41;
	v42 =	vand.u32 $0x7FFFF800, v42;
	v44 =	vand.u32 $0x380, v45  }
0x10e: {  	v45 =	vshll.u32 v50, $0x7;
	v42 =	vor.u32 v42, v44;
	v44 =	vshll.u32 v50, $0x8  }
0x10f: {  	v49 =	vadd.s32 s24, v20;
	v45 =	vand.u32 $0x380, v45;
	v44 =	vand.u32 $0x7FFFF800, v44  }
0x110: {  	v47 =	vshll.u32 v47, $0x8;
	v40 =	vmax.f32 v40, v43;
	v50 =	vshll.u32 v49, $0x8  }
0x111: {  	v49 =	vshll.u32 v49, $0x7;
	v43 =	vand.u32 $0x7FFFF800, v50;
	v32 =	vmax.f32 v40, v32  }
0x112: {  	v46 =	vand.u32 $0x380, v46;
	v41 =	vor.u32 v14, v41;
	v40 =	vand.u32 $0x7FFFF800, v47  }
0x113: {  	v47 =	vand.u32 $0x380, v49;
	v40 =	vor.u32 v40, v46;
	v32 =	vmax.f32 v32, v33  }
0x114: {  	v33 =	vadd.s32 s24, v22;
	v46 =	vadd.s32 s24, v23;
	[tilespmem:v10+s6+$0x0 ss:$0x1] =	vst.idx.msk $0xffff, v32;
	v32 =	vor.u32 v18, v25;
	v25 =	vmovc v42  }
0x115: {  	v49 =	vshll.u32 v46, $0x8;
	v42 =	vshll.u32 v33, $0x8;
	v33 =	vshll.u32 v33, $0x7;
	v36 =	vld.idx.msk [tilespmem:v36+s11+$0x0], $0xffff  }
0x116: {  	v49 =	vand.u32 $0x7FFFF800, v49;
	v42 =	vand.u32 $0x7FFFF800, v42;
	v33 =	vand.u32 $0x380, v33;
	v38 =	vld.idx.msk [tilespmem:v38+s11+$0x0], $0xffff  }
0x117: {  	v44 =	vor.u32 v44, v45;
	v33 =	vor.u32 v42, v33;
	v42 =	vshll.u32 v46, $0x7  }
0x118: {  	v39 =	vor.u32 v12, v39;
	v43 =	vor.u32 v43, v47;
	v42 =	vand.u32 $0x380, v42  }
0x119: {  	v45 =	vor.u32 v17, v29;
	v29 =	vmovc v44;
	s6 =	sand.u32 $0x300, s28;
	s28 =	smov.u32 s7;
	v46 =	vor.u32 v15, v31;
	v42 =	vor.u32 v49, v42  }
0x11a: {  	v44 =	vshll.u32 v48, $0x8;
	v47 =	vshll.u32 v48, $0x7;
	v48 =	vor.u32 v14, v26;
	v26 =	vmovc v40;
	s6 =	sadd.s32 s6, s0;
	v31 =	vmovc v43;
	v37 =	vld.idx.msk [tilespmem:v37+s11+$0x0], $0xffff  }
0x11b: {  	v40 =	vand.u32 $0x7FFFF800, v44;
	v44 =	vor.u32 v13, v27;
	v43 =	vand.u32 $0x380, v47;
	v27 =	vmovc v33;
	v41 =	vld.idx.msk [tilespmem:v41+s11+$0x0], $0xffff  }
0x11c: {  	s8 =	sand.u32 $0x380, s12;
	s12 =	smov.u32 s30;
	s7 =	sadd.s32 $0xFFFFFFEB, s24;
	v47 =	vor.u32 v11, v28;
	v28 =	vor.u32 v40, v43;
	v33 =	vld.idx.msk [tilespmem:v34+s11+$0x0], $0xffff;
	v34 =	vor.u32 v12, v30  }
0x11d: {  	s0 =	sadd.s32 s8, s0;
	v40 =	vadd.s32 s7, v16;
	v43 =	vadd.s32 s7, v19;
	v49 =	vadd.s32 s7, v22;
	v30 =	vmovc v42;
	v39 =	vld.idx.msk [tilespmem:v39+s11+$0x0], $0xffff  }
0x11e: {  	v50 =	vadd.s32 s7, v20;
	v42 =	vshll.u32 v40, $0x8;
	v40 =	vshll.u32 v40, $0x7;
	v35 =	vld.idx.msk [tilespmem:v35+s11+$0x0], $0xffff  }
0x11f: {  	v51 =	vshll.u32 v43, $0x7;
	v36 =	vmax.f32 v36, v38;
	v42 =	vand.u32 $0x7FFFF800, v42  }
0x120: {  	v38 =	vand.u32 $0x380, v40;
	v40 =	vand.u32 $0x380, v51;
	v36 =	vmax.f32 v36, v37  }
0x121: {  	v37 =	vor.u32 v42, v38;
	v38 =	vshll.u32 v50, $0x7;
	v36 =	vmax.f32 v36, v41  }
0x122: {  	v37 =	vor.u32 v18, v37;
	v38 =	vand.u32 $0x380, v38;
	v33 =	vmax.f32 v36, v33  }
0x123: {  	v41 =	vadd.s32 s7, v21;
	v36 =	vshll.u32 v43, $0x8;
	v33 =	vmax.f32 v33, v39  }
0x124: {  	v39 =	vshll.u32 v41, $0x8;
	v41 =	vshll.u32 v41, $0x7;
	v33 =	vmax.f32 v33, v35  }
0x125: {  	v35 =	vand.u32 $0x7FFFF800, v39;
	v39 =	vand.u32 $0x380, v41;
	v41 =	vshll.u32 v49, $0x8;
	[tilespmem:v10+s6+$0x0 ss:$0x1] =	vst.idx.msk $0xffff, v33  }
0x126: {  	v35 =	vor.u32 v35, v39;
	v39 =	vshll.u32 v49, $0x7;
	v33 =	vshll.u32 v50, $0x8;
	v32 =	vld.idx.msk [tilespmem:v32+s11+$0x0], $0xffff  }
0x127: {  	v41 =	vand.u32 $0x7FFFF800, v41;
	v35 =	vor.u32 v14, v35;
	v39 =	vand.u32 $0x380, v39;
	v42 =	vld.idx.msk [tilespmem:v45+s11+$0x0], $0xffff  }
0x128: {  	v43 =	vadd.s32 s7, v23;
	v33 =	vand.u32 $0x7FFFF800, v33;
	v45 =	vadd.s32 s7, v24;
	v46 =	vld.idx.msk [tilespmem:v46+s11+$0x0], $0xffff  }
0x129: {  	v33 =	vor.u32 v33, v38;
	v38 =	vshll.u32 v43, $0x8;
	v43 =	vshll.u32 v43, $0x7;
	v48 =	vld.idx.msk [tilespmem:v48+s11+$0x0], $0xffff  }
0x12a: {  	v39 =	vor.u32 v41, v39;
	v38 =	vand.u32 $0x7FFFF800, v38;
	v41 =	vand.u32 $0x380, v43;
	v43 =	vld.idx.msk [tilespmem:v44+s11+$0x0], $0xffff  }
0x12b: {  	v38 =	vor.u32 v38, v41;
	v41 =	vshll.u32 v45, $0x8;
	v34 =	vld.idx.msk [tilespmem:v34+s11+$0x0], $0xffff  }
0x12c: {  	v36 =	vand.u32 $0x7FFFF800, v36;
	v38 =	vor.u32 v12, v38;
	v44 =	vshll.u32 v45, $0x7;
	v45 =	vld.idx.msk [tilespmem:v47+s11+$0x0], $0xffff  }
0x12d: {  	v36 =	vor.u32 v36, v40;
	v40 =	vand.u32 $0x380, v44;
	v32 =	vmax.f32 v32, v42  }
0x12e: {  	v36 =	vor.u32 v17, v36;
	v33 =	vor.u32 v15, v33;
	v32 =	vmax.f32 v32, v46  }
0x12f: {  	v41 =	vand.u32 $0x7FFFF800, v41;
	v32 =	vmax.f32 v32, v48  }
0x130: {  	v40 =	vor.u32 v41, v40;
	v32 =	vmax.f32 v32, v43  }
0x131: {  	v39 =	vor.u32 v13, v39;
	s7 =	sadd.s32 $0xFFFFFFF2, s24;
	v32 =	vmax.f32 v32, v34  }
0x132: {  	v41 =	vadd.s32 s7, v19;
	v34 =	vor.u32 v11, v40;
	v40 =	vadd.s32 s7, v16  }
0x133: {  	v43 =	vadd.s32 s7, v23;
	v42 =	vshll.u32 v40, $0x8;
	v32 =	vmax.f32 v32, v45  }
0x134: {  	v44 =	vshll.u32 v43, $0x8;
	v45 =	vadd.s32 s7, v24;
	v42 =	vand.u32 $0x7FFFF800, v42;
	[tilespmem:v10+s0+$0x0 ss:$0x1] =	vst.idx.msk $0xffff, v32  }
0x135: {  	v46 =	vadd.s32 s7, v21;
	v44 =	vand.u32 $0x7FFFF800, v44;
	v32 =	vshll.u32 v41, $0x8  }
0x136: {  	v47 =	vshll.u32 v46, $0x7;
	v40 =	vshll.u32 v40, $0x7;
	v41 =	vshll.u32 v41, $0x7;
	v37 =	vld.idx.msk [tilespmem:v37+s11+$0x0], $0xffff  }
0x137: {  	v48 =	vadd.s32 s7, v20;
	v40 =	vand.u32 $0x380, v40;
	v32 =	vand.u32 $0x7FFFF800, v32;
	v36 =	vld.idx.msk [tilespmem:v36+s11+$0x0], $0xffff  }
0x138: {  	v40 =	vor.u32 v42, v40;
	v42 =	vand.u32 $0x380, v47;
	v41 =	vand.u32 $0x380, v41;
	v33 =	vld.idx.msk [tilespmem:v33+s11+$0x0], $0xffff  }
0x139: {  	v46 =	vshll.u32 v46, $0x8;
	v47 =	vshll.u32 v48, $0x7;
	v40 =	vor.u32 v18, v40;
	v35 =	vld.idx.msk [tilespmem:v35+s11+$0x0], $0xffff  }
0x13a: {  	v32 =	vor.u32 v32, v41;
	v41 =	vshll.u32 v43, $0x7;
	v43 =	vshll.u32 v45, $0x8;
	v39 =	vld.idx.msk [tilespmem:v39+s11+$0x0], $0xffff  }
0x13b: {  	v49 =	vor.u32 v17, v32;
	v32 =	vand.u32 $0x380, v41;
	v41 =	vshll.u32 v45, $0x7;
	v38 =	vld.idx.msk [tilespmem:v38+s11+$0x0], $0xffff  }
0x13c: {  	v46 =	vand.u32 $0x7FFFF800, v46;
	v45 =	vand.u32 $0x380, v47;
	v32 =	vor.u32 v44, v32;
	v34 =	vld.idx.msk [tilespmem:v34+s11+$0x0], $0xffff  }
0x13d: {  	v32 =	vor.u32 v12, v32;
	v36 =	vmax.f32 v37, v36;
	v37 =	vand.u32 $0x7FFFF800, v43  }
0x13e: {  	v41 =	vand.u32 $0x380, v41;
	v33 =	vmax.f32 v36, v33;
	v36 =	vor.u32 v46, v42  }
0x13f: {  	v37 =	vor.u32 v37, v41;
	v33 =	vmax.f32 v33, v35;
	v35 =	vshll.u32 v48, $0x8  }
0x140: {  	s6 =	sadd.s32 $0xFFFFFE80, s30;
	s0 =	sand.u32 $0x800, s2;
	v43 =	vor.u32 v14, v36;
	v39 =	vmax.f32 v33, v39;
	v33 =	vor.u32 v11, v37  }
0x141: {  	s6 =	sand.u32 $0x200, s6;
	s0 =	sadd.s32 s0, s26;
	v35 =	vand.u32 $0x7FFFF800, v35;
	v37 =	vadd.s32 s7, v22;
	v36 =	vmax.f32 v39, v38  }
0x142: {  	s6 =	sadd.s32 s6, s0;
	v35 =	vor.u32 v35, v45;
	v34 =	vmax.f32 v36, v34;
	v36 =	vshll.u32 v37, $0x8  }
0x143: {  	v35 =	vor.u32 v15, v35;
	v37 =	vshll.u32 v37, $0x7;
	v36 =	vand.u32 $0x7FFFF800, v36  }
0x144: {  	v37 =	vand.u32 $0x380, v37  }
0x145: {  	v36 =	vor.u32 v36, v37;
	_ =	sdelay $0x5  }
0x146: {  	s7 =	sadd.s32 $0xFFFFFFF9, s24;
	v37 =	vor.u32 v13, v36  }
0x147: {  	v38 =	vadd.s32 s7, v19;
	v41 =	vadd.s32 s7, v22;
	v36 =	vadd.s32 s7, v16  }
0x148: {  	v42 =	vshll.u32 v41, $0x7;
	v39 =	vshll.u32 v36, $0x8;
	v36 =	vshll.u32 v36, $0x7  }
0x149: {  	v44 =	vand.u32 $0x7FFFF800, v39;
	v36 =	vand.u32 $0x380, v36;
	v39 =	vshll.u32 v38, $0x7  }
0x14a: {  	v38 =	vshll.u32 v38, $0x8;
	v45 =	vand.u32 $0x380, v39;
	v39 =	vadd.s32 s7, v23  }
0x14b: {  	v36 =	vor.u32 v44, v36;
	v38 =	vand.u32 $0x7FFFF800, v38;
	v44 =	vadd.s32 s7, v20  }
0x14c: {  	v38 =	vor.u32 v38, v45;
	v45 =	vshll.u32 v44, $0x8;
	[tilespmem:v10+s6+$0x0 ss:$0x1] =	vst.idx.msk $0xffff, v34;
	v34 =	vshll.u32 v41, $0x8  }
0x14d: {  	v36 =	vor.u32 v18, v36;
	v44 =	vshll.u32 v44, $0x7;
	v40 =	vld.idx.msk [tilespmem:v40+s11+$0x0], $0xffff;
	v34 =	vand.u32 $0x7FFFF800, v34  }
0x14e: {  	v47 =	vadd.s32 s7, v24;
	v46 =	vand.u32 $0x380, v44;
	v44 =	vand.u32 $0x380, v42;
	v41 =	vld.idx.msk [tilespmem:v49+s11+$0x0], $0xffff  }
.Ltmp2:
0x14f: {  	v34 =	vor.u32 v34, v44;
	v42 =	vld.idx.msk [tilespmem:v35+s11+$0x0], $0xffff;
	v35 =	vshll.u32 v47, $0x8;
	v47 =	vshll.u32 v47, $0x7;
	(pc) =	sbr.rel @p2 .LBB2_4-.Ltmp2, $4  }
0x150: {  	v34 =	vor.u32 v13, v34;
	v44 =	vld.idx.msk [tilespmem:v43+s11+$0x0], $0xffff;
	v35 =	vand.u32 $0x7FFFF800, v35;
	v43 =	vand.u32 $0x380, v47  }
0x151: {  	v47 =	vand.u32 $0x7FFFF800, v45;
	v45 =	vadd.s32 s7, v21;
	v35 =	vor.u32 v35, v43  }
0x152: {  	v43 =	vld.idx.msk [tilespmem:v37+s11+$0x0], $0xffff;
	v37 =	vor.u32 v47, v46;
	v35 =	vor.u32 v11, v35  }
0x153: {  	s2 =	sadd.s32 $0x400, s2;
	v38 =	vor.u32 v17, v38;
	v37 =	vor.u32 v15, v37  }
0x154: {  	_ =	sdelay $0x3  }
0x155: {  	v16 =	vld.idx.msk [tilespmem:v32+s11+$0x0], $0xffff  }
0x156: {  	v19 =	vld.idx.msk [tilespmem:v33+s11+$0x0], $0xffff;
	v20 =	vmax.f32 v40, v41  }
0x157: {  	v21 =	vshll.u32 v39, $0x8;
	v22 =	vshll.u32 v39, $0x7;
	v20 =	vmax.f32 v20, v42  }
0x158: {  	v23 =	vshll.u32 v45, $0x8;
	v24 =	vshll.u32 v45, $0x7;
	v20 =	vmax.f32 v20, v44  }
0x159: {  	v23 =	vand.u32 $0x7FFFF800, v23;
	v24 =	vand.u32 $0x380, v24;
	v20 =	vmax.f32 v20, v43  }
0x15a: {  	s2 =	sand.u32 $0x280, s29;
	v21 =	vand.u32 $0x7FFFF800, v21;
	v23 =	vor.u32 v23, v24;
	v16 =	vmax.f32 v20, v16  }
0x15b: {  	v55 =	vand.u32 $0x380, v22;
	s2 =	sadd.s32 s2, s0;
	v56 =	vor.u32 v14, v23;
	v16 =	vmax.f32 v16, v19  }
0x15c: {  	v57 =	vor.u32 v21, v55;
	[tilespmem:v10+s2+$0x0 ss:$0x1] =	vst.idx.msk $0xffff, v16  }
0x15d: {  	v19 =	vor.u32 v12, v57;
	v16 =	vld.idx.msk [tilespmem:v36+s11+$0x0], $0xffff  }
0x15e: {  	v58 =	vld.idx.msk [tilespmem:v38+s11+$0x0], $0xffff  }
0x15f: {  	v59 =	vld.idx.msk [tilespmem:v37+s11+$0x0], $0xffff  }
0x160: {  	v22 =	vld.idx.msk [tilespmem:v56+s11+$0x0], $0xffff  }
0x161: {  	v60 =	vld.idx.msk [tilespmem:v34+s11+$0x0], $0xffff  }
0x162: {  	v19 =	vld.idx.msk [tilespmem:v19+s11+$0x0], $0xffff  }
0x163: {  	v61 =	vld.idx.msk [tilespmem:v35+s11+$0x0], $0xffff;
	v16 =	vmax.f32 v16, v58  }
0x164: {  	v16 =	vmax.f32 v16, v59  }
0x165: {  	v18 =	vor.u32 v18, v25;
	v16 =	vmax.f32 v16, v22  }
0x166: {  	v17 =	vor.u32 v17, v29;
	v16 =	vmax.f32 v16, v60  }
0x167: {  	s29 =	sand.u32 $0x300, s28;
	v15 =	vor.u32 v15, v31;
	v16 =	vmax.f32 v16, v19  }
0x168: {  	v62 =	vor.u32 v14, v26;
	s2 =	sadd.s32 s29, s0;
	v16 =	vmax.f32 v16, v61  }
0x169: {  	v13 =	vor.u32 v13, v27;
	[tilespmem:v10+s2+$0x0 ss:$0x1] =	vst.idx.msk $0xffff, v16  }
0x16a: {  	v63 =	vor.u32 v12, v30;
	v16 =	vld.idx.msk [tilespmem:v18+s11+$0x0], $0xffff  }
0x16b: {  	v11 =	vor.u32 v11, v28;
	v17 =	vld.idx.msk [tilespmem:v17+s11+$0x0], $0xffff  }
0x16c: {  	v15 =	vld.idx.msk [tilespmem:v15+s11+$0x0], $0xffff  }
0x16d: {  	v14 =	vld.idx.msk [tilespmem:v62+s11+$0x0], $0xffff  }
0x16e: {  	v13 =	vld.idx.msk [tilespmem:v13+s11+$0x0], $0xffff  }
0x16f: {  	v12 =	vld.idx.msk [tilespmem:v63+s11+$0x0], $0xffff  }
0x170: {  	s23 =	sadd.s32 $0x1, s23;
	v11 =	vld.idx.msk [tilespmem:v11+s11+$0x0], $0xffff;
	v16 =	vmax.f32 v16, v17  }
0x171: {  	p2 =	sne.s32 s23, $0x10;
	v15 =	vmax.f32 v16, v15  }
.Ltmp3:
0x172: {  	v14 =	vmax.f32 v15, v14;
	(pc) =	sbr.rel @p2 .LBB2_3-.Ltmp3, $4  }
0x173: {  	v13 =	vmax.f32 v14, v13  }
0x174: {  	s30 =	sand.u32 $0x380, s12;
	v12 =	vmax.f32 v13, v12  }
0x175: {  	s31 =	sadd.s32 s30, s0;
	v11 =	vmax.f32 v12, v11  }
0x176: {  	[tilespmem:v10+s31+$0x0 ss:$0x1] =	vst.idx.msk $0xffff, v11  }
0x177: {  	p2 =	sne.s32 s19, $0x27  }
.Ltmp4:
0x178: {  	_ = 	snop;
	(pc) =	sbr.rel @p2 .LBB2_8-.Ltmp4, $4  }
0x179: {  	s0 =	sadd.s32 s5, s21  }
0x17a: {  	s0 =	sshll.u32 s0, $0x9  }
0x17b: {  	s0 =	sadd.s32 s3, s0  }
0x17c: {  	[hbm4b:s0+s4] =	stream.linear.scatter [tilespmem:s15], [sflag:$0x3], $0x1000, $0x38;
	[tilespmem:$0x12300] =	vst v63  }
.Ltmp5:
0x17d: {  	(pc) =	sbr.rel .LBB2_9-.Ltmp5, $4  }
0x17e: {  	_ = 	snop  }
0x17f: {  	_ =	swait.ge [sflag:s16], $0x7000  }
0x180: {  	[sflag:s16] =	ssyncset.done $0x0  }
0x181: {  	[sflag:s16] =	ssyncadd.s32 $0xFFFF9000  }
.LBB2_8:
0x182: {  	s0 =	smul.u32 $0x380, s19;
	_ =	sdelay $0x1  }
0x183: {  	s0 =	sshra.s32 s0, $0x2  }
0x184: {  	v10 =	vld [tilespmem:s0+$0xE0];
	_ =	sdelay $0x4  }
0x185: {  	v11 =	vshll.u32 v10, $0x1  }
0x186: {  	v10 =	vand.u32 $0x7, v10;
	v11 =	vand.u32 $0xFFFFFFF0, v11  }
0x187: {  	v10 =	vor.u32 v10, v11  }
0x188: {  	v11 =	vperm.xlane v10, v0;
	_ =	sdelay $0x1  }
0x189: {  	v10 =	vperm.xlane v10, v3;
	v11 =	vadd.s32 v2, v11;
	_ =	sdelay $0x1  }
0x18a: {  	v10 =	vadd.s32 v2, v10;
	_ =	sdelay $0x2  }
0x18b: {  	[tilespmem:s11], [sflag:$0x1] =	stream.indirect_vreg.gather [hbm4b:s1+s4], $0x80, v11, vm0, $0xb8;
	[tilespmem:$0x12300] =	vst v63  }
0x18c: {  	s2 =	simm.s32 $0x2B00  }
0x18d: {  	[tilespmem:s2], [sflag:$0x1] =	stream.indirect_vreg.gather [hbm4b:s1+s4], $0x80, v10, vm0, $0xb8;
	[tilespmem:$0x12300] =	vst v63  }
0x18e: {  	v10 =	vld [tilespmem:s0+$0xF0];
	_ =	sdelay $0x4  }
0x18f: {  	v11 =	vshll.u32 v10, $0x1  }
0x190: {  	v10 =	vand.u32 $0x7, v10;
	v11 =	vand.u32 $0xFFFFFFF0, v11  }
0x191: {  	v10 =	vor.u32 v10, v11  }
0x192: {  	v11 =	vperm.xlane v10, v0;
	_ =	sdelay $0x1  }
0x193: {  	v10 =	vperm.xlane v10, v3;
	v11 =	vadd.s32 v2, v11;
	_ =	sdelay $0x1  }
0x194: {  	v10 =	vadd.s32 v2, v10;
	_ =	sdelay $0x1  }
0x195: {  	s7 =	simm.s32 $0x3300  }
0x196: {  	[tilespmem:s7], [sflag:$0x1] =	stream.indirect_vreg.gather [hbm4b:s1+s4], $0x80, v11, vm0, $0xb8;
	[tilespmem:$0x12300] =	vst v63  }
0x197: {  	s8 =	simm.s32 $0x3B00  }
0x198: {  	[tilespmem:s8], [sflag:$0x1] =	stream.indirect_vreg.gather [hbm4b:s1+s4], $0x80, v10, vm0, $0xb8;
	[tilespmem:$0x12300] =	vst v63  }
0x199: {  	v10 =	vld [tilespmem:s0+$0x100];
	_ =	sdelay $0x4  }
0x19a: {  	v11 =	vshll.u32 v10, $0x1  }
0x19b: {  	v10 =	vand.u32 $0x7, v10;
	v11 =	vand.u32 $0xFFFFFFF0, v11  }
0x19c: {  	v10 =	vor.u32 v10, v11  }
0x19d: {  	v11 =	vperm.xlane v10, v0;
	_ =	sdelay $0x1  }
0x19e: {  	v10 =	vperm.xlane v10, v3;
	v11 =	vadd.s32 v2, v11;
	_ =	sdelay $0x1  }
0x19f: {  	v10 =	vadd.s32 v2, v10;
	_ =	sdelay $0x1  }
0x1a0: {  	s12 =	simm.s32 $0x4300  }
0x1a1: {  	[tilespmem:s12], [sflag:$0x1] =	stream.indirect_vreg.gather [hbm4b:s1+s4], $0x80, v11, vm0, $0xb8;
	[tilespmem:$0x12300] =	vst v63  }
0x1a2: {  	s21 =	simm.s32 $0x4B00  }
0x1a3: {  	[tilespmem:s21], [sflag:$0x1] =	stream.indirect_vreg.gather [hbm4b:s1+s4], $0x80, v10, vm0, $0xb8;
	[tilespmem:$0x12300] =	vst v63  }
0x1a4: {  	v10 =	vld [tilespmem:s0+$0x110];
	_ =	sdelay $0x4  }
0x1a5: {  	v11 =	vshll.u32 v10, $0x1  }
0x1a6: {  	v10 =	vand.u32 $0x7, v10;
	v11 =	vand.u32 $0xFFFFFFF0, v11  }
0x1a7: {  	v10 =	vor.u32 v10, v11  }
0x1a8: {  	v11 =	vperm.xlane v10, v0;
	_ =	sdelay $0x1  }
0x1a9: {  	v10 =	vperm.xlane v10, v3;
	v11 =	vadd.s32 v2, v11;
	_ =	sdelay $0x1  }
0x1aa: {  	v10 =	vadd.s32 v2, v10;
	_ =	sdelay $0x1  }
0x1ab: {  	s22 =	simm.s32 $0x5300  }
0x1ac: {  	[tilespmem:s22], [sflag:$0x1] =	stream.indirect_vreg.gather [hbm4b:s1+s4], $0x80, v11, vm0, $0xb8;
	[tilespmem:$0x12300] =	vst v63  }
0x1ad: {  	s23 =	simm.s32 $0x5B00  }
0x1ae: {  	[tilespmem:s23], [sflag:$0x1] =	stream.indirect_vreg.gather [hbm4b:s1+s4], $0x80, v10, vm0, $0xb8;
	[tilespmem:$0x12300] =	vst v63  }
0x1af: {  	v10 =	vld [tilespmem:s0+$0x120];
	_ =	sdelay $0x4  }
0x1b0: {  	v11 =	vshll.u32 v10, $0x1  }
0x1b1: {  	v10 =	vand.u32 $0x7, v10;
	v11 =	vand.u32 $0xFFFFFFF0, v11  }
0x1b2: {  	v10 =	vor.u32 v10, v11  }
0x1b3: {  	v11 =	vperm.xlane v10, v0;
	_ =	sdelay $0x1  }
0x1b4: {  	v10 =	vperm.xlane v10, v3;
	v11 =	vadd.s32 v2, v11;
	_ =	sdelay $0x1  }
0x1b5: {  	v10 =	vadd.s32 v2, v10;
	_ =	sdelay $0x1  }
0x1b6: {  	s24 =	simm.s32 $0x6300  }
0x1b7: {  	[tilespmem:s24], [sflag:$0x1] =	stream.indirect_vreg.gather [hbm4b:s1+s4], $0x80, v11, vm0, $0xb8;
	[tilespmem:$0x12300] =	vst v63  }
0x1b8: {  	s26 =	simm.s32 $0x6B00  }
0x1b9: {  	[tilespmem:s26], [sflag:$0x1] =	stream.indirect_vreg.gather [hbm4b:s1+s4], $0x80, v10, vm0, $0xb8;
	[tilespmem:$0x12300] =	vst v63  }
0x1ba: {  	v10 =	vld [tilespmem:s0+$0x130];
	_ =	sdelay $0x4  }
0x1bb: {  	v11 =	vshll.u32 v10, $0x1  }
0x1bc: {  	v10 =	vand.u32 $0x7, v10;
	v11 =	vand.u32 $0xFFFFFFF0, v11  }
0x1bd: {  	v10 =	vor.u32 v10, v11  }
0x1be: {  	v11 =	vperm.xlane v10, v0;
	_ =	sdelay $0x1  }
0x1bf: {  	v10 =	vperm.xlane v10, v3;
	v11 =	vadd.s32 v2, v11;
	_ =	sdelay $0x1  }
0x1c0: {  	v10 =	vadd.s32 v2, v10;
	_ =	sdelay $0x1  }
0x1c1: {  	s28 =	simm.s32 $0x7300  }
0x1c2: {  	[tilespmem:s28], [sflag:$0x1] =	stream.indirect_vreg.gather [hbm4b:s1+s4], $0x80, v11, vm0, $0xb8;
	[tilespmem:$0x12300] =	vst v63  }
0x1c3: {  	s29 =	simm.s32 $0x7B00  }
0x1c4: {  	[tilespmem:s29], [sflag:$0x1] =	stream.indirect_vreg.gather [hbm4b:s1+s4], $0x80, v10, vm0, $0xb8;
	[tilespmem:$0x12300] =	vst v63  }
0x1c5: {  	v10 =	vld [tilespmem:s0+$0x140];
	_ =	sdelay $0x4  }
0x1c6: {  	v11 =	vshll.u32 v10, $0x1  }
0x1c7: {  	v10 =	vand.u32 $0x7, v10;
	v11 =	vand.u32 $0xFFFFFFF0, v11  }
0x1c8: {  	v10 =	vor.u32 v10, v11  }
0x1c9: {  	v11 =	vperm.xlane v10, v0;
	_ =	sdelay $0x1  }
0x1ca: {  	v10 =	vperm.xlane v10, v3;
	v11 =	vadd.s32 v2, v11;
	_ =	sdelay $0x1  }
0x1cb: {  	v10 =	vadd.s32 v2, v10;
	_ =	sdelay $0x1  }
0x1cc: {  	s30 =	simm.s32 $0x8300  }
0x1cd: {  	[tilespmem:s30], [sflag:$0x1] =	stream.indirect_vreg.gather [hbm4b:s1+s4], $0x80, v11, vm0, $0xb8;
	[tilespmem:$0x12300] =	vst v63  }
.Ltmp6:
0x1ce: {  	s31 =	simm.s32 $0x8B00;
	(pc) =	sbr.rel @p1 .LBB2_10-.Ltmp6, $4  }
0x1cf: {  	[tilespmem:s31], [sflag:$0x1] =	stream.indirect_vreg.gather [hbm4b:s1+s4], $0x80, v10, vm0, $0xb8;
	[tilespmem:$0x12300] =	vst v63  }
0x1d0: {  	_ =	swait.ge [sflag:s16], $0x7000  }
0x1d1: {  	[sflag:s16] =	ssyncset.done $0x0  }
0x1d2: {  	[sflag:s16] =	ssyncadd.s32 $0xFFFF9000  }
.LBB2_9:
0x1d3: {  	_ =	swait.ge [sflag:s17], $0x1000  }
0x1d4: {  	[sflag:s17] =	ssyncset.done $0x0  }
0x1d5: {  	[sflag:s17] =	ssyncadd.s32 $0xFFFFF000  }
.LBB2_10:
0x1d6: {  	s21 =	simm.s32 $0x0;
	s22 =	simm.s32 $0x0  }
.LBB2_11:
0x1d7: {  	s0 =	smul.u32 $0x70, s22;
	_ =	sdelay $0x1  }
0x1d8: {  	v10 =	vadd.s32 s0, v1  }
0x1d9: {  	v11 =	vadd.s32 s0, v4;
	v12 =	vadd.s32 s0, v5;
	v13 =	vadd.s32 s0, v6  }
0x1da: {  	v14 =	vadd.s32 s0, v7;
	v15 =	vadd.s32 s0, v8;
	v17 =	vadd.s32 s0, v9  }
0x1db: {  	v16 =	vshrl.u32 v10, $0x8;
	v19 =	vshrl.u32 v11, $0x8;
	v20 =	vshrl.u32 v12, $0x8  }
0x1dc: {  	v21 =	vshrl.u32 v13, $0x8;
	v22 =	vshrl.u32 v14, $0x8;
	v23 =	vshrl.u32 v15, $0x8  }
0x1dd: {  	v24 =	vshrl.u32 v17, $0x8;
	v18 =	vand.u32 $0x7F, v10;
	v10 =	vshll.u32 v10, $0x3  }
0x1de: {  	v25 =	vand.u32 $0x7F, v11;
	v11 =	vshll.u32 v11, $0x3;
	v26 =	vand.u32 $0x7F, v12  }
0x1df: {  	v12 =	vshll.u32 v12, $0x3;
	v27 =	vand.u32 $0x7F, v13;
	v13 =	vshll.u32 v13, $0x3  }
0x1e0: {  	v28 =	vand.u32 $0x7F, v14;
	v14 =	vshll.u32 v14, $0x3;
	v30 =	vand.u32 $0x7F, v15  }
0x1e1: {  	v32 =	vand.u32 $0x7F, v17;
	v10 =	vand.u32 $0x400, v10;
	v11 =	vand.u32 $0x400, v11  }
0x1e2: {  	s23 =	simm.s32 $0x15;
	s12 =	simm.s32 $0x0;
	v12 =	vand.u32 $0x400, v12;
	v13 =	vand.u32 $0x400, v13;
	v29 =	vand.u32 $0x400, v14  }
0x1e3: {  	v14 =	vshll.u32 v15, $0x3;
	v43 =	vadd.s32 s23, v23;
	v45 =	vadd.s32 s12, v16  }
0x1e4: {  	v46 =	vadd.s32 s12, v19;
	v47 =	vadd.s32 s12, v22;
	v36 =	vadd.s32 s12, v20  }
0x1e5: {  	s24 =	simm.s32 $0x7;
	v38 =	vadd.s32 s12, v21;
	v51 =	vadd.s32 s12, v23;
	v41 =	vadd.s32 s12, v24  }
0x1e6: {  	s8 =	sshll.u32 s22, $0x4;
	v57 =	vadd.s32 s24, v16;
	v59 =	vadd.s32 s24, v19;
	v31 =	vand.u32 $0x400, v14  }
0x1e7: {  	s0 =	sand.u32 $0x70, s8;
	v14 =	vshll.u32 v17, $0x3;
	v18 =	vor.u32 v10, v18;
	v17 =	vor.u32 v11, v25  }
0x1e8: {  	v15 =	vor.u32 v12, v26;
	v10 =	vmov s0;
	v26 =	vadd.s32 s23, v21  }
0x1e9: {  	v25 =	vadd.s32 s23, v16;
	v35 =	vshll.u32 v43, $0x8;
	v48 =	vshll.u32 v45, $0x8  }
0x1ea: {  	v37 =	vshll.u32 v46, $0x7;
	v49 =	vshll.u32 v36, $0x7;
	v39 =	vshll.u32 v38, $0x8  }
0x1eb: {  	v38 =	vshll.u32 v38, $0x7;
	v40 =	vshll.u32 v47, $0x8;
	v36 =	vshll.u32 v36, $0x8  }
0x1ec: {  	v52 =	vshll.u32 v51, $0x8;
	v54 =	vshll.u32 v41, $0x8;
	v55 =	vshll.u32 v41, $0x7  }
0x1ed: {  	v58 =	vshll.u32 v57, $0x8;
	v41 =	vshll.u32 v59, $0x7;
	v33 =	vand.u32 $0x400, v14  }
0x1ee: {  	v14 =	vor.u32 v13, v27;
	v13 =	vor.u32 v29, v28;
	v12 =	vor.u32 v31, v30  }
0x1ef: {  	v28 =	vadd.s32 s23, v24;
	v27 =	vshll.u32 v26, $0x7;
	v29 =	vshll.u32 v25, $0x8  }
0x1f0: {  	v25 =	vshll.u32 v25, $0x7;
	v30 =	vadd.s32 s23, v19;
	v31 =	vadd.s32 s23, v20  }
0x1f1: {  	v26 =	vshll.u32 v26, $0x8;
	v35 =	vand.u32 $0x7FFFF800, v35;
	v37 =	vand.u32 $0x380, v37  }
0x1f2: {  	v39 =	vand.u32 $0x7FFFF800, v39;
	v38 =	vand.u32 $0x380, v38;
	v50 =	vand.u32 $0x7FFFF800, v40  }
0x1f3: {  	v36 =	vand.u32 $0x7FFFF800, v36;
	v40 =	vshll.u32 v51, $0x7;
	v56 =	vand.u32 $0x380, v55  }
0x1f4: {  	v60 =	vand.u32 $0x380, v41;
	v11 =	vor.u32 v33, v32;
	v29 =	vand.u32 $0x7FFFF800, v29  }
0x1f5: {  	v25 =	vand.u32 $0x380, v25;
	v42 =	vshll.u32 v31, $0x8;
	v31 =	vshll.u32 v31, $0x7  }
0x1f6: {  	v26 =	vand.u32 $0x7FFFF800, v26;
	v27 =	vand.u32 $0x380, v27;
	v44 =	vshll.u32 v28, $0x8  }
0x1f7: {  	v28 =	vshll.u32 v28, $0x7;
	v38 =	vor.u32 v39, v38;
	v53 =	vand.u32 $0x380, v40  }
0x1f8: {  	v39 =	vand.u32 $0x7FFFF800, v54;
	v40 =	vand.u32 $0x7FFFF800, v58;
	v58 =	vadd.s32 s24, v22  }
0x1f9: {  	v25 =	vor.u32 v29, v25;
	v29 =	vshll.u32 v30, $0x8;
	v30 =	vshll.u32 v30, $0x7  }
0x1fa: {  	v32 =	vand.u32 $0x7FFFF800, v42;
	v31 =	vand.u32 $0x380, v31;
	v26 =	vor.u32 v26, v27  }
0x1fb: {  	v27 =	vadd.s32 s23, v22;
	v33 =	vand.u32 $0x7FFFF800, v44;
	v28 =	vand.u32 $0x380, v28  }
0x1fc: {  	v38 =	vor.u32 v14, v38;
	v42 =	vadd.s32 s24, v23;
	v44 =	vadd.s32 s24, v24  }
0x1fd: {  	v29 =	vand.u32 $0x7FFFF800, v29;
	v30 =	vand.u32 $0x380, v30;
	v34 =	vshll.u32 v27, $0x8  }
0x1fe: {  	v27 =	vshll.u32 v27, $0x7;
	v31 =	vor.u32 v32, v31;
	v28 =	vor.u32 v33, v28  }
0x1ff: {  	v32 =	vshll.u32 v45, $0x7;
	v33 =	vshll.u32 v46, $0x8;
	v45 =	vshll.u32 v59, $0x8  }
0x200: {  	v46 =	vadd.s32 s24, v21;
	v63 =	vshll.u32 v44, $0x8;
	v51 =	vshll.u32 v44, $0x7  }
0x201: {  	v59 =	vshll.u32 v58, $0x8;
	v34 =	vand.u32 $0x7FFFF800, v34;
	v27 =	vand.u32 $0x380, v27  }
0x202: {  	v29 =	vor.u32 v29, v30;
	v30 =	vshll.u32 v43, $0x7;
	v32 =	vand.u32 $0x380, v32  }
0x203: {  	v33 =	vand.u32 $0x7FFFF800, v33;
	v43 =	vshll.u32 v42, $0x8;
	v45 =	vand.u32 $0x7FFFF800, v45  }
0x204: {  	v42 =	vshll.u32 v42, $0x7;
	v27 =	vor.u32 v34, v27;
	v30 =	vand.u32 $0x380, v30  }
0x205: {  	v34 =	vshll.u32 v47, $0x7;
	v33 =	vor.u32 v33, v37;
	v37 =	vor.u32 v39, v56  }
0x206: {  	v43 =	vand.u32 $0x7FFFF800, v43;
	v39 =	vshll.u32 v57, $0x7;
	v47 =	vshll.u32 v46, $0x7  }
0x207: {  	v46 =	vshll.u32 v46, $0x8;
	v56 =	vand.u32 $0x380, v51;
	v30 =	vor.u32 v35, v30  }
0x208: {  	v35 =	vand.u32 $0x7FFFF800, v48;
	v34 =	vand.u32 $0x380, v34;
	v33 =	vor.u32 v17, v33  }
0x209: {  	v37 =	vor.u32 v11, v37;
	v39 =	vand.u32 $0x380, v39;
	v48 =	vadd.s32 s24, v20  }
0x20a: {  	v61 =	vand.u32 $0x380, v47;
	v32 =	vor.u32 v35, v32;
	v35 =	vand.u32 $0x380, v49  }
0x20b: {  	v34 =	vor.u32 v50, v34;
	v39 =	vor.u32 v40, v39;
	v62 =	vshll.u32 v48, $0x7  }
0x20c: {  	v40 =	vor.u32 v45, v60;
	v32 =	vor.u32 v18, v32;
	v35 =	vor.u32 v36, v35  }
0x20d: {  	s2 =	simm.s32 $0xE;
	v50 =	vand.u32 $0x380, v42;
	v57 =	vshll.u32 v48, $0x8;
	v35 =	vor.u32 v15, v35  }
0x20e: {  	v45 =	vadd.s32 s2, v21;
	v36 =	vand.u32 $0x7FFFF800, v52;
	v34 =	vor.u32 v13, v34  }
0x20f: {  	v47 =	vor.u32 v18, v39;
	v49 =	vor.u32 v17, v40;
	v39 =	vand.u32 $0x380, v62  }
0x210: {  	v52 =	vand.u32 $0x7FFFF800, v46;
	v40 =	vor.u32 v43, v50;
	v36 =	vor.u32 v36, v53;
	v33 =	vld.idx.msk [tilespmem:v33+s25+$0x0], $0xffff  }
0x211: {  	v62 =	vadd.s32 s2, v19;
	v53 =	vand.u32 $0x7FFFF800, v63;
	v36 =	vor.u32 v12, v36;
	v32 =	vld.idx.msk [tilespmem:v32+s25+$0x0], $0xffff  }
0x212: {  	v55 =	vor.u32 v52, v61;
	v61 =	vadd.s32 s2, v16;
	v63 =	vadd.s32 s2, v22;
	v35 =	vld.idx.msk [tilespmem:v35+s25+$0x0], $0xffff  }
0x213: {  	v38 =	vld.idx.msk [tilespmem:v38+s25+$0x0], $0xffff;
	v50 =	vshll.u32 v62, $0x7;
	v51 =	vshll.u32 v62, $0x8;
	v52 =	vadd.s32 s2, v20  }
0x214: {  	v46 =	vshll.u32 v61, $0x8;
	v48 =	vshll.u32 v63, $0x7;
	v43 =	vand.u32 $0x380, v50;
	v34 =	vld.idx.msk [tilespmem:v34+s25+$0x0], $0xffff  }
0x215: {  	v44 =	vand.u32 $0x7FFFF800, v51;
	v54 =	vld.idx.msk [tilespmem:v37+s25+$0x0], $0xffff;
	v37 =	vor.u32 v14, v55;
	v41 =	vand.u32 $0x7FFFF800, v46  }
0x216: {  	v55 =	vshll.u32 v52, $0x7;
	v42 =	vand.u32 $0x380, v48;
	v36 =	vld.idx.msk [tilespmem:v36+s25+$0x0], $0xffff;
	v33 =	vmax.f32 v32, v33  }
0x217: {  	v32 =	vor.u32 v12, v40;
	v40 =	vor.u32 v53, v56;
	v33 =	vmax.f32 v33, v35  }
0x218: {  	v53 =	vor.u32 v44, v43;
	v33 =	vmax.f32 v33, v38;
	v38 =	vand.u32 $0x7FFFF800, v57  }
0x219: {  	s26 =	sshll.u32 s22, $0x7;
	v57 =	vand.u32 $0x380, v55;
	v34 =	vmax.f32 v33, v34;
	v33 =	vor.u32 v11, v40  }
0x21a: {  	s0 =	sand.u32 $0x400, s26;
	v40 =	vshll.u32 v58, $0x7;
	v60 =	vor.u32 v38, v39;
	v39 =	vadd.s32 s2, v23  }
0x21b: {  	s31 =	sand.u32 $0x800, s21;
	s6 =	simm.s32 $0x0;
	s24 =	sor.u32 $0x11300, s0;
	v58 =	vadd.s32 s2, v24;
	v34 =	vmax.f32 v34, v36;
	v36 =	vand.u32 $0x7FFFF800, v59  }
0x21c: {  	s6 =	sand.u32 $0x200, s6;
	s0 =	sadd.s32 s31, s24;
	v40 =	vand.u32 $0x380, v40;
	v35 =	vor.u32 v15, v60;
	v59 =	vshll.u32 v58, $0x8  }
0x21d: {  	s6 =	sadd.s32 s6, s0;
	v60 =	vshll.u32 v58, $0x7;
	v34 =	vmax.f32 v34, v54;
	v36 =	vor.u32 v36, v40  }
0x21e: {  	v54 =	vshll.u32 v52, $0x8;
	v40 =	vshll.u32 v63, $0x8;
	v38 =	vor.u32 v13, v36;
	[tilespmem:v10+s6+$0x0 ss:$0x1] =	vst.idx.msk $0xffff, v34  }
0x21f: {  	v62 =	vand.u32 $0x380, v60;
	v36 =	vshll.u32 v61, $0x7;
	v56 =	vand.u32 $0x7FFFF800, v40;
	v40 =	vld.idx.msk [tilespmem:v47+s25+$0x0], $0xffff  }
0x220: {  	v61 =	vand.u32 $0x7FFFF800, v59;
	v43 =	vand.u32 $0x7FFFF800, v54;
	v36 =	vand.u32 $0x380, v36;
	v44 =	vld.idx.msk [tilespmem:v37+s25+$0x0], $0xffff  }
0x221: {  	v42 =	vor.u32 v56, v42;
	v63 =	vor.u32 v43, v57;
	v36 =	vor.u32 v41, v36;
	v41 =	vld.idx.msk [tilespmem:v49+s25+$0x0], $0xffff  }
0x222: {  	s29 =	simm.s32 $0x180;
	s30 =	simm.s32 $0x0;
	s28 =	simm.s32 $0x80;
	v34 =	vor.u32 v13, v42;
	v37 =	vor.u32 v15, v63;
	v42 =	vld.idx.msk [tilespmem:v35+s25+$0x0], $0xffff;
	v35 =	vor.u32 v61, v62  }
0x223: {  	s12 =	simm.s32 $0x180;
	s26 =	simm.s32 $0x100;
	s2 =	simm.s32 $0x400;
	v36 =	vor.u32 v18, v36;
	v35 =	vor.u32 v11, v35;
	v43 =	vld.idx.msk [tilespmem:v38+s25+$0x0], $0xffff;
	v38 =	vor.u32 v17, v53  }
.LBB2_12:
0x224: {  	s30 =	sadd.s32 $0x4, s30;
	v46 =	vshll.u32 v39, $0x8;
	v39 =	vshll.u32 v39, $0x7;
	s29 =	sadd.s32 $0x200, s29;
	s23 =	sadd.s32 $0x1C, s23  }
0x225: {  	s6 =	sadd.s32 $0xFFFFFF00, s29;
	s7 =	sadd.s32 $0xFFFFFF80, s29;
	v47 =	vadd.s32 s23, v21;
	v48 =	vadd.s32 s23, v24;
	p1 =	slt.u32 s30, $0xC;
	v46 =	vand.u32 $0x7FFFF800, v46  }
0x226: {  	v49 =	vshll.u32 v45, $0x8;
	v39 =	vand.u32 $0x380, v39;
	v32 =	vld.idx.msk [tilespmem:v32+s25+$0x0], $0xffff  }
0x227: {  	s8 =	sand.u32 $0x280, s28;
	v45 =	vshll.u32 v45, $0x7;
	v49 =	vand.u32 $0x7FFFF800, v49;
	v39 =	vor.u32 v46, v39;
	s28 =	smov.u32 s6;
	v33 =	vld.idx.msk [tilespmem:v33+s25+$0x0], $0xffff  }
0x228: {  	v40 =	vmax.f32 v40, v41;
	v41 =	vand.u32 $0x380, v45;
	v46 =	vshll.u32 v47, $0x7;
	s6 =	sadd.s32 s8, s0  }
0x229: {  	v45 =	vadd.s32 s23, v16;
	v50 =	vadd.s32 s23, v19;
	v40 =	vmax.f32 v40, v42  }
0x22a: {  	v42 =	vshll.u32 v45, $0x8;
	v45 =	vshll.u32 v45, $0x7;
	v40 =	vmax.f32 v40, v44  }
0x22b: {  	v41 =	vor.u32 v49, v41;
	v42 =	vand.u32 $0x7FFFF800, v42;
	v44 =	vand.u32 $0x380, v45  }
0x22c: {  	v45 =	vshll.u32 v50, $0x7;
	v42 =	vor.u32 v42, v44;
	v44 =	vshll.u32 v50, $0x8  }
0x22d: {  	v49 =	vadd.s32 s23, v20;
	v45 =	vand.u32 $0x380, v45;
	v44 =	vand.u32 $0x7FFFF800, v44  }
0x22e: {  	v47 =	vshll.u32 v47, $0x8;
	v40 =	vmax.f32 v40, v43;
	v50 =	vshll.u32 v49, $0x8  }
0x22f: {  	v49 =	vshll.u32 v49, $0x7;
	v43 =	vand.u32 $0x7FFFF800, v50;
	v32 =	vmax.f32 v40, v32  }
0x230: {  	v46 =	vand.u32 $0x380, v46;
	v41 =	vor.u32 v14, v41;
	v40 =	vand.u32 $0x7FFFF800, v47  }
0x231: {  	v47 =	vand.u32 $0x380, v49;
	v40 =	vor.u32 v40, v46;
	v32 =	vmax.f32 v32, v33  }
0x232: {  	v33 =	vadd.s32 s23, v22;
	v46 =	vadd.s32 s23, v23;
	[tilespmem:v10+s6+$0x0 ss:$0x1] =	vst.idx.msk $0xffff, v32;
	v32 =	vor.u32 v18, v25;
	v25 =	vmovc v42  }
0x233: {  	v49 =	vshll.u32 v46, $0x8;
	v42 =	vshll.u32 v33, $0x8;
	v33 =	vshll.u32 v33, $0x7;
	v36 =	vld.idx.msk [tilespmem:v36+s25+$0x0], $0xffff  }
0x234: {  	v49 =	vand.u32 $0x7FFFF800, v49;
	v42 =	vand.u32 $0x7FFFF800, v42;
	v33 =	vand.u32 $0x380, v33;
	v38 =	vld.idx.msk [tilespmem:v38+s25+$0x0], $0xffff  }
0x235: {  	v44 =	vor.u32 v44, v45;
	v33 =	vor.u32 v42, v33;
	v42 =	vshll.u32 v46, $0x7  }
0x236: {  	v39 =	vor.u32 v12, v39;
	v43 =	vor.u32 v43, v47;
	v42 =	vand.u32 $0x380, v42  }
0x237: {  	v45 =	vor.u32 v17, v29;
	v29 =	vmovc v44;
	s6 =	sand.u32 $0x300, s26;
	s26 =	smov.u32 s7;
	v46 =	vor.u32 v15, v31;
	v42 =	vor.u32 v49, v42  }
0x238: {  	v44 =	vshll.u32 v48, $0x8;
	v47 =	vshll.u32 v48, $0x7;
	v48 =	vor.u32 v14, v26;
	v26 =	vmovc v40;
	s6 =	sadd.s32 s6, s0;
	v31 =	vmovc v43;
	v37 =	vld.idx.msk [tilespmem:v37+s25+$0x0], $0xffff  }
0x239: {  	v40 =	vand.u32 $0x7FFFF800, v44;
	v44 =	vor.u32 v13, v27;
	v43 =	vand.u32 $0x380, v47;
	v27 =	vmovc v33;
	v41 =	vld.idx.msk [tilespmem:v41+s25+$0x0], $0xffff  }
0x23a: {  	s8 =	sand.u32 $0x380, s12;
	s12 =	smov.u32 s29;
	s7 =	sadd.s32 $0xFFFFFFEB, s23;
	v47 =	vor.u32 v11, v28;
	v28 =	vor.u32 v40, v43;
	v33 =	vld.idx.msk [tilespmem:v34+s25+$0x0], $0xffff;
	v34 =	vor.u32 v12, v30  }
0x23b: {  	s0 =	sadd.s32 s8, s0;
	v40 =	vadd.s32 s7, v16;
	v43 =	vadd.s32 s7, v19;
	v49 =	vadd.s32 s7, v22;
	v30 =	vmovc v42;
	v39 =	vld.idx.msk [tilespmem:v39+s25+$0x0], $0xffff  }
0x23c: {  	v50 =	vadd.s32 s7, v20;
	v42 =	vshll.u32 v40, $0x8;
	v40 =	vshll.u32 v40, $0x7;
	v35 =	vld.idx.msk [tilespmem:v35+s25+$0x0], $0xffff  }
0x23d: {  	v51 =	vshll.u32 v43, $0x7;
	v36 =	vmax.f32 v36, v38;
	v42 =	vand.u32 $0x7FFFF800, v42  }
0x23e: {  	v38 =	vand.u32 $0x380, v40;
	v40 =	vand.u32 $0x380, v51;
	v36 =	vmax.f32 v36, v37  }
0x23f: {  	v37 =	vor.u32 v42, v38;
	v38 =	vshll.u32 v50, $0x7;
	v36 =	vmax.f32 v36, v41  }
0x240: {  	v37 =	vor.u32 v18, v37;
	v38 =	vand.u32 $0x380, v38;
	v33 =	vmax.f32 v36, v33  }
0x241: {  	v41 =	vadd.s32 s7, v21;
	v36 =	vshll.u32 v43, $0x8;
	v33 =	vmax.f32 v33, v39  }
0x242: {  	v39 =	vshll.u32 v41, $0x8;
	v41 =	vshll.u32 v41, $0x7;
	v33 =	vmax.f32 v33, v35  }
0x243: {  	v35 =	vand.u32 $0x7FFFF800, v39;
	v39 =	vand.u32 $0x380, v41;
	v41 =	vshll.u32 v49, $0x8;
	[tilespmem:v10+s6+$0x0 ss:$0x1] =	vst.idx.msk $0xffff, v33  }
0x244: {  	v35 =	vor.u32 v35, v39;
	v39 =	vshll.u32 v49, $0x7;
	v33 =	vshll.u32 v50, $0x8;
	v32 =	vld.idx.msk [tilespmem:v32+s25+$0x0], $0xffff  }
0x245: {  	v41 =	vand.u32 $0x7FFFF800, v41;
	v35 =	vor.u32 v14, v35;
	v39 =	vand.u32 $0x380, v39;
	v42 =	vld.idx.msk [tilespmem:v45+s25+$0x0], $0xffff  }
0x246: {  	v43 =	vadd.s32 s7, v23;
	v33 =	vand.u32 $0x7FFFF800, v33;
	v45 =	vadd.s32 s7, v24;
	v46 =	vld.idx.msk [tilespmem:v46+s25+$0x0], $0xffff  }
0x247: {  	v33 =	vor.u32 v33, v38;
	v38 =	vshll.u32 v43, $0x8;
	v43 =	vshll.u32 v43, $0x7;
	v48 =	vld.idx.msk [tilespmem:v48+s25+$0x0], $0xffff  }
0x248: {  	v39 =	vor.u32 v41, v39;
	v38 =	vand.u32 $0x7FFFF800, v38;
	v41 =	vand.u32 $0x380, v43;
	v43 =	vld.idx.msk [tilespmem:v44+s25+$0x0], $0xffff  }
0x249: {  	v38 =	vor.u32 v38, v41;
	v41 =	vshll.u32 v45, $0x8;
	v34 =	vld.idx.msk [tilespmem:v34+s25+$0x0], $0xffff  }
0x24a: {  	v36 =	vand.u32 $0x7FFFF800, v36;
	v38 =	vor.u32 v12, v38;
	v44 =	vshll.u32 v45, $0x7;
	v45 =	vld.idx.msk [tilespmem:v47+s25+$0x0], $0xffff  }
0x24b: {  	v36 =	vor.u32 v36, v40;
	v40 =	vand.u32 $0x380, v44;
	v32 =	vmax.f32 v32, v42  }
0x24c: {  	v36 =	vor.u32 v17, v36;
	v33 =	vor.u32 v15, v33;
	v32 =	vmax.f32 v32, v46  }
0x24d: {  	v41 =	vand.u32 $0x7FFFF800, v41;
	v32 =	vmax.f32 v32, v48  }
0x24e: {  	v40 =	vor.u32 v41, v40;
	v32 =	vmax.f32 v32, v43  }
0x24f: {  	v39 =	vor.u32 v13, v39;
	s7 =	sadd.s32 $0xFFFFFFF2, s23;
	v32 =	vmax.f32 v32, v34  }
0x250: {  	v41 =	vadd.s32 s7, v19;
	v34 =	vor.u32 v11, v40;
	v40 =	vadd.s32 s7, v16  }
0x251: {  	v43 =	vadd.s32 s7, v23;
	v42 =	vshll.u32 v40, $0x8;
	v32 =	vmax.f32 v32, v45  }
0x252: {  	v44 =	vshll.u32 v43, $0x8;
	v45 =	vadd.s32 s7, v24;
	v42 =	vand.u32 $0x7FFFF800, v42;
	[tilespmem:v10+s0+$0x0 ss:$0x1] =	vst.idx.msk $0xffff, v32  }
0x253: {  	v46 =	vadd.s32 s7, v21;
	v44 =	vand.u32 $0x7FFFF800, v44;
	v32 =	vshll.u32 v41, $0x8  }
0x254: {  	v47 =	vshll.u32 v46, $0x7;
	v40 =	vshll.u32 v40, $0x7;
	v41 =	vshll.u32 v41, $0x7;
	v37 =	vld.idx.msk [tilespmem:v37+s25+$0x0], $0xffff  }
0x255: {  	v48 =	vadd.s32 s7, v20;
	v40 =	vand.u32 $0x380, v40;
	v32 =	vand.u32 $0x7FFFF800, v32;
	v36 =	vld.idx.msk [tilespmem:v36+s25+$0x0], $0xffff  }
0x256: {  	v40 =	vor.u32 v42, v40;
	v42 =	vand.u32 $0x380, v47;
	v41 =	vand.u32 $0x380, v41;
	v33 =	vld.idx.msk [tilespmem:v33+s25+$0x0], $0xffff  }
0x257: {  	v46 =	vshll.u32 v46, $0x8;
	v47 =	vshll.u32 v48, $0x7;
	v40 =	vor.u32 v18, v40;
	v35 =	vld.idx.msk [tilespmem:v35+s25+$0x0], $0xffff  }
0x258: {  	v32 =	vor.u32 v32, v41;
	v41 =	vshll.u32 v43, $0x7;
	v43 =	vshll.u32 v45, $0x8;
	v39 =	vld.idx.msk [tilespmem:v39+s25+$0x0], $0xffff  }
0x259: {  	v49 =	vor.u32 v17, v32;
	v32 =	vand.u32 $0x380, v41;
	v41 =	vshll.u32 v45, $0x7;
	v38 =	vld.idx.msk [tilespmem:v38+s25+$0x0], $0xffff  }
0x25a: {  	v46 =	vand.u32 $0x7FFFF800, v46;
	v45 =	vand.u32 $0x380, v47;
	v32 =	vor.u32 v44, v32;
	v34 =	vld.idx.msk [tilespmem:v34+s25+$0x0], $0xffff  }
0x25b: {  	v32 =	vor.u32 v12, v32;
	v36 =	vmax.f32 v37, v36;
	v37 =	vand.u32 $0x7FFFF800, v43  }
0x25c: {  	v41 =	vand.u32 $0x380, v41;
	v33 =	vmax.f32 v36, v33;
	v36 =	vor.u32 v46, v42  }
0x25d: {  	v37 =	vor.u32 v37, v41;
	v33 =	vmax.f32 v33, v35;
	v35 =	vshll.u32 v48, $0x8  }
0x25e: {  	s6 =	sadd.s32 $0xFFFFFE80, s29;
	s0 =	sand.u32 $0x800, s2;
	v43 =	vor.u32 v14, v36;
	v39 =	vmax.f32 v33, v39;
	v33 =	vor.u32 v11, v37  }
0x25f: {  	s6 =	sand.u32 $0x200, s6;
	s0 =	sadd.s32 s0, s24;
	v35 =	vand.u32 $0x7FFFF800, v35;
	v37 =	vadd.s32 s7, v22;
	v36 =	vmax.f32 v39, v38  }
0x260: {  	s6 =	sadd.s32 s6, s0;
	v35 =	vor.u32 v35, v45;
	v34 =	vmax.f32 v36, v34;
	v36 =	vshll.u32 v37, $0x8  }
0x261: {  	v35 =	vor.u32 v15, v35;
	v37 =	vshll.u32 v37, $0x7;
	v36 =	vand.u32 $0x7FFFF800, v36  }
0x262: {  	v37 =	vand.u32 $0x380, v37  }
0x263: {  	v36 =	vor.u32 v36, v37;
	_ =	sdelay $0x5  }
0x264: {  	s7 =	sadd.s32 $0xFFFFFFF9, s23;
	v37 =	vor.u32 v13, v36  }
0x265: {  	v38 =	vadd.s32 s7, v19;
	v41 =	vadd.s32 s7, v22;
	v36 =	vadd.s32 s7, v16  }
0x266: {  	v42 =	vshll.u32 v41, $0x7;
	v39 =	vshll.u32 v36, $0x8;
	v36 =	vshll.u32 v36, $0x7  }
0x267: {  	v44 =	vand.u32 $0x7FFFF800, v39;
	v36 =	vand.u32 $0x380, v36;
	v39 =	vshll.u32 v38, $0x7  }
0x268: {  	v38 =	vshll.u32 v38, $0x8;
	v45 =	vand.u32 $0x380, v39;
	v39 =	vadd.s32 s7, v23  }
0x269: {  	v36 =	vor.u32 v44, v36;
	v38 =	vand.u32 $0x7FFFF800, v38;
	v44 =	vadd.s32 s7, v20  }
0x26a: {  	v38 =	vor.u32 v38, v45;
	v45 =	vshll.u32 v44, $0x8;
	[tilespmem:v10+s6+$0x0 ss:$0x1] =	vst.idx.msk $0xffff, v34;
	v34 =	vshll.u32 v41, $0x8  }
0x26b: {  	v36 =	vor.u32 v18, v36;
	v44 =	vshll.u32 v44, $0x7;
	v40 =	vld.idx.msk [tilespmem:v40+s25+$0x0], $0xffff;
	v34 =	vand.u32 $0x7FFFF800, v34  }
0x26c: {  	v47 =	vadd.s32 s7, v24;
	v46 =	vand.u32 $0x380, v44;
	v44 =	vand.u32 $0x380, v42;
	v41 =	vld.idx.msk [tilespmem:v49+s25+$0x0], $0xffff  }
.Ltmp7:
0x26d: {  	v34 =	vor.u32 v34, v44;
	v42 =	vld.idx.msk [tilespmem:v35+s25+$0x0], $0xffff;
	v35 =	vshll.u32 v47, $0x8;
	v47 =	vshll.u32 v47, $0x7;
	(pc) =	sbr.rel @p1 .LBB2_12-.Ltmp7, $4  }
0x26e: {  	v34 =	vor.u32 v13, v34;
	v44 =	vld.idx.msk [tilespmem:v43+s25+$0x0], $0xffff;
	v35 =	vand.u32 $0x7FFFF800, v35;
	v43 =	vand.u32 $0x380, v47  }
0x26f: {  	v47 =	vand.u32 $0x7FFFF800, v45;
	v45 =	vadd.s32 s7, v21;
	v35 =	vor.u32 v35, v43  }
0x270: {  	v43 =	vld.idx.msk [tilespmem:v37+s25+$0x0], $0xffff;
	v37 =	vor.u32 v47, v46;
	v35 =	vor.u32 v11, v35  }
0x271: {  	s2 =	sadd.s32 $0x400, s2;
	v38 =	vor.u32 v17, v38;
	v37 =	vor.u32 v15, v37  }
0x272: {  	_ =	sdelay $0x3  }
0x273: {  	v16 =	vld.idx.msk [tilespmem:v32+s25+$0x0], $0xffff  }
0x274: {  	v19 =	vld.idx.msk [tilespmem:v33+s25+$0x0], $0xffff;
	v20 =	vmax.f32 v40, v41  }
0x275: {  	v21 =	vshll.u32 v39, $0x8;
	v22 =	vshll.u32 v39, $0x7;
	v20 =	vmax.f32 v20, v42  }
0x276: {  	v23 =	vshll.u32 v45, $0x8;
	v24 =	vshll.u32 v45, $0x7;
	v20 =	vmax.f32 v20, v44  }
0x277: {  	v23 =	vand.u32 $0x7FFFF800, v23;
	v24 =	vand.u32 $0x380, v24;
	v20 =	vmax.f32 v20, v43  }
0x278: {  	s2 =	sand.u32 $0x280, s28;
	v21 =	vand.u32 $0x7FFFF800, v21;
	v23 =	vor.u32 v23, v24;
	v16 =	vmax.f32 v20, v16  }
0x279: {  	v55 =	vand.u32 $0x380, v22;
	s2 =	sadd.s32 s2, s0;
	v56 =	vor.u32 v14, v23;
	v16 =	vmax.f32 v16, v19  }
0x27a: {  	v57 =	vor.u32 v21, v55;
	[tilespmem:v10+s2+$0x0 ss:$0x1] =	vst.idx.msk $0xffff, v16  }
0x27b: {  	v19 =	vor.u32 v12, v57;
	v16 =	vld.idx.msk [tilespmem:v36+s25+$0x0], $0xffff  }
0x27c: {  	v58 =	vld.idx.msk [tilespmem:v38+s25+$0x0], $0xffff  }
0x27d: {  	v59 =	vld.idx.msk [tilespmem:v37+s25+$0x0], $0xffff  }
0x27e: {  	v22 =	vld.idx.msk [tilespmem:v56+s25+$0x0], $0xffff  }
0x27f: {  	v60 =	vld.idx.msk [tilespmem:v34+s25+$0x0], $0xffff  }
0x280: {  	v19 =	vld.idx.msk [tilespmem:v19+s25+$0x0], $0xffff  }
0x281: {  	v61 =	vld.idx.msk [tilespmem:v35+s25+$0x0], $0xffff;
	v16 =	vmax.f32 v16, v58  }
0x282: {  	v16 =	vmax.f32 v16, v59  }
0x283: {  	v18 =	vor.u32 v18, v25;
	v16 =	vmax.f32 v16, v22  }
0x284: {  	v17 =	vor.u32 v17, v29;
	v16 =	vmax.f32 v16, v60  }
0x285: {  	s29 =	sand.u32 $0x300, s26;
	v15 =	vor.u32 v15, v31;
	v16 =	vmax.f32 v16, v19  }
0x286: {  	v62 =	vor.u32 v14, v26;
	s2 =	sadd.s32 s29, s0;
	v16 =	vmax.f32 v16, v61  }
0x287: {  	v13 =	vor.u32 v13, v27;
	[tilespmem:v10+s2+$0x0 ss:$0x1] =	vst.idx.msk $0xffff, v16  }
0x288: {  	v63 =	vor.u32 v12, v30;
	v16 =	vld.idx.msk [tilespmem:v18+s25+$0x0], $0xffff  }
0x289: {  	v11 =	vor.u32 v11, v28;
	v17 =	vld.idx.msk [tilespmem:v17+s25+$0x0], $0xffff  }
0x28a: {  	v15 =	vld.idx.msk [tilespmem:v15+s25+$0x0], $0xffff  }
0x28b: {  	v14 =	vld.idx.msk [tilespmem:v62+s25+$0x0], $0xffff  }
0x28c: {  	v13 =	vld.idx.msk [tilespmem:v13+s25+$0x0], $0xffff  }
0x28d: {  	v12 =	vld.idx.msk [tilespmem:v63+s25+$0x0], $0xffff  }
0x28e: {  	s22 =	sadd.s32 $0x1, s22;
	v11 =	vld.idx.msk [tilespmem:v11+s25+$0x0], $0xffff;
	v16 =	vmax.f32 v16, v17  }
0x28f: {  	p1 =	sne.s32 s22, $0x10;
	v15 =	vmax.f32 v16, v15  }
.Ltmp8:
0x290: {  	v14 =	vmax.f32 v15, v14;
	(pc) =	sbr.rel @p1 .LBB2_11-.Ltmp8, $4  }
0x291: {  	v13 =	vmax.f32 v14, v13  }
0x292: {  	s30 =	sand.u32 $0x380, s12;
	v12 =	vmax.f32 v13, v12  }
0x293: {  	s31 =	sadd.s32 s30, s0;
	v11 =	vmax.f32 v12, v11  }
0x294: {  	[tilespmem:v10+s31+$0x0 ss:$0x1] =	vst.idx.msk $0xffff, v11  }
0x295: {  	s19 =	sadd.s32 $0x1, s19  }
0x296: {  	p1 =	sne.s32 s19, $0x28  }
.Ltmp9:
0x297: {  	s0 =	sadd.s32 s5, s20;
	(pc) =	sbr.rel @p1 .LBB2_2-.Ltmp9, $4  }
0x298: {  	s0 =	sshll.u32 s0, $0x9  }
0x299: {  	s0 =	sand.u32 $0x1FFFFE00, s0  }
0x29a: {  	s0 =	sadd.s32 s3, s0  }
0x29b: {  	[hbm4b:s0+s4] =	stream.linear.scatter [tilespmem:s18], [sflag:$0x4], $0x1000, $0x38;
	[tilespmem:$0x12300] =	vst v63  }
0x29c: {  	s0 =	simm.s32 $0x3  }
0x29d: {  	_ =	swait.ge [sflag:s0], $0x1000  }
.Ltmp10:
0x29e: {  	[sflag:s0] =	ssyncset.done $0x0;
	(pc) =	sbr.rel @p0 .LBB2_19-.Ltmp10, $4  }
0x29f: {  	[sflag:s0] =	ssyncadd.s32 $0xFFFFF000  }
0x2a0: {  	_ =	swait.ge [sflag:s17], $0x1000  }
0x2a1: {  	[sflag:s17] =	ssyncset.done $0x0  }
0x2a2: {  	s2 =	rddreg [dreg:$0x8];
	[sflag:s17] =	ssyncadd.s32 $0xFFFFF000  }
0x2a3: {  	s0 =	simm.s32 $0x0  }
0x2a4: {  	v12 =	vadd.s32 s0, v5  }
0x2a5: {  	s12 =	simm.s32 $0x70;
	v13 =	vadd.s32 s0, v6;
	v15 =	vadd.s32 s0, v1;
	v16 =	vadd.s32 s0, v4  }
0x2a6: {  	v46 =	vadd.s32 s12, v8;
	v62 =	vadd.s32 s12, v1;
	v63 =	vadd.s32 s12, v4  }
0x2a7: {  	v18 =	vshll.u32 v16, $0x3;
	v19 =	vshrl.u32 v16, $0x1;
	v23 =	vand.u32 $0x7F, v13  }
0x2a8: {  	v24 =	vshll.u32 v15, $0x3;
	v25 =	vshrl.u32 v15, $0x8;
	v26 =	vand.u32 $0x87F, v16  }
0x2a9: {  	v27 =	vshrl.u32 v15, $0x1;
	v29 =	vshrl.u32 v16, $0x8;
	v32 =	vand.u32 $0x7F, v15  }
0x2aa: {  	v33 =	vand.u32 $0x7F, v12;
	v35 =	vshrl.u32 v13, $0x1;
	v36 =	vshrl.u32 v12, $0x8  }
0x2ab: {  	v15 =	vand.u32 $0x87F, v15;
	v58 =	vshll.u32 v12, $0x3;
	v59 =	vshll.u32 v13, $0x3  }
0x2ac: {  	v40 =	vand.u32 $0x87F, v13;
	v16 =	vand.u32 $0x7F, v16;
	v13 =	vshrl.u32 v13, $0x8  }
0x2ad: {  	s2 =	rddreg [dreg:$0x5];
	s30 =	simm.s32 $0x5;
	v49 =	vshrl.u32 v62, $0x1;
	v52 =	vand.u32 $0x87F, v62;
	v18 =	vand.u32 $0x400, v18  }
0x2ae: {  	[tilespmem:s0], [sflag:$0x5] =	stream.linear.gather [hbm4b:s2+s0], $0xE, $0x38;
	v19 =	vand.u32 $0x380, v19;
	v25 =	vadd.s32 $0x7, v25;
	v24 =	vand.u32 $0x400, v24;
	[tilespmem:$0x12300] =	vst v63  }
0x2af: {  	_ =	swait.ge [sflag:s30], $0xE;
	v29 =	vadd.s32 $0x7, v29;
	v27 =	vand.u32 $0x380, v27;
	v36 =	vadd.s32 $0x7, v36  }
0x2b0: {  	[sflag:s30] =	ssyncset.done $0x0;
	v35 =	vand.u32 $0x380, v35;
	v13 =	vadd.s32 $0x7, v13;
	v49 =	vand.u32 $0x380, v49  }
0x2b1: {  	[sflag:s30] =	ssyncadd.s32 $0xFFFFFFF2;
	v30 =	vshll.u32 v25, $0x8;
	v25 =	vshll.u32 v25, $0x7;
	v31 =	vshll.u32 v29, $0x8  }
0x2b2: {  	v19 =	vor.u32 v19, v26;
	v26 =	vshrl.u32 v12, $0x1;
	v37 =	vshll.u32 v36, $0x8;
	v10 =	vld [tilespmem:$0x0]  }
0x2b3: {  	v36 =	vshll.u32 v36, $0x7;
	v29 =	vshll.u32 v29, $0x7;
	v15 =	vor.u32 v27, v15  }
0x2b4: {  	v27 =	vor.u32 v35, v40;
	v40 =	vadd.s32 s12, v6;
	v30 =	vand.u32 $0x7FFFF800, v30  }
0x2b5: {  	v25 =	vand.u32 $0x380, v25;
	v31 =	vand.u32 $0x7FFFF800, v31;
	v37 =	vand.u32 $0x7FFFF800, v37  }
0x2b6: {  	v36 =	vand.u32 $0x380, v36;
	v39 =	vor.u32 v18, v19;
	v29 =	vand.u32 $0x380, v29  }
0x2b7: {  	v47 =	vand.u32 $0x7F, v40;
	v51 =	vshrl.u32 v40, $0x1;
	v22 =	vnsel vm1, $0x0, v10  }
0x2b8: {  	v19 =	vor.u32 v36, v33;
	v16 =	vor.u32 v29, v16;
	v10 =	vshll.u32 v22, $0x1  }
0x2b9: {  	v29 =	vor.u32 v24, v15;
	v11 =	vand.u32 $0x7, v22;
	v10 =	vand.u32 $0xFFFFFFF0, v10  }
0x2ba: {  	v15 =	vor.u32 v31, v16;
	v31 =	vadd.s32 s0, v9;
	v10 =	vor.u32 v11, v10  }
0x2bb: {  	v19 =	vor.u32 v37, v19;
	v36 =	vand.u32 $0x87F, v31;
	v11 =	vperm.xlane v10, v0  }
0x2bc: {  	v61 =	vshll.u32 v31, $0x3;
	v53 =	vshrl.u32 v31, $0x8;
	v10 =	vperm.xlane v10, v3  }
0x2bd: {  	v53 =	vadd.s32 $0x7, v53;
	v28 =	vadd.s32 v2, v11;
	v11 =	vadd.s32 s0, v8  }
0x2be: {  	v20 =	vadd.s32 v2, v10;
	v10 =	vadd.s32 s0, v7;
	v14 =	vand.u32 $0x87F, v11  }
0x2bf: {  	v17 =	vand.u32 $0x7F, v10;
	v21 =	vshrl.u32 v11, $0x8;
	v38 =	vshrl.u32 v10, $0x8  }
0x2c0: {  	v60 =	vshrl.u32 v10, $0x1;
	v41 =	vshll.u32 v10, $0x3;
	v42 =	vshrl.u32 v11, $0x1  }
0x2c1: {  	v43 =	vshll.u32 v11, $0x3;
	v21 =	vadd.s32 $0x7, v21;
	v37 =	vand.u32 $0x380, v60  }
0x2c2: {  	v42 =	vand.u32 $0x380, v42;
	v38 =	vadd.s32 $0x7, v38;
	v34 =	vshll.u32 v21, $0x7  }
0x2c3: {  	v42 =	vor.u32 v42, v14;
	v14 =	vshll.u32 v13, $0x8;
	v13 =	vshll.u32 v13, $0x7  }
0x2c4: {  	v44 =	vshll.u32 v38, $0x8;
	v38 =	vshll.u32 v38, $0x7;
	v16 =	vshll.u32 v21, $0x8  }
0x2c5: {  	v21 =	vshrl.u32 v63, $0x1;
	v34 =	vand.u32 $0x380, v34;
	v13 =	vand.u32 $0x380, v13  }
0x2c6: {  	v14 =	vand.u32 $0x7FFFF800, v14;
	v13 =	vor.u32 v13, v23;
	v23 =	vand.u32 $0x380, v38  }
0x2c7: {  	v38 =	vadd.s32 s12, v7;
	v13 =	vor.u32 v14, v13;
	v14 =	vor.u32 v23, v17  }
0x2c8: {  	v17 =	vand.u32 $0x7FFFF800, v44;
	v23 =	vand.u32 $0x400, v59;
	v45 =	vand.u32 $0x7F, v38  }
0x2c9: {  	v59 =	vshrl.u32 v31, $0x1;
	v55 =	vshrl.u32 v38, $0x8;
	v44 =	vand.u32 $0x7F, v63  }
0x2ca: {  	v17 =	vor.u32 v17, v14;
	v14 =	vand.u32 $0x7F, v11;
	v11 =	vand.u32 $0x87F, v10  }
0x2cb: {  	v10 =	vor.u32 v23, v13;
	v13 =	vor.u32 v25, v32;
	v25 =	vand.u32 $0x380, v26  }
0x2cc: {  	v32 =	vand.u32 $0x380, v51;
	v51 =	vand.u32 $0x380, v59;
	v13 =	vor.u32 v30, v13  }
0x2cd: {  	v26 =	vor.u32 v37, v11;
	v14 =	vor.u32 v34, v14;
	v34 =	vor.u32 v23, v27  }
0x2ce: {  	v37 =	vand.u32 $0x7F, v31;
	v23 =	vshrl.u32 v46, $0x8;
	v30 =	vand.u32 $0x380, v21  }
0x2cf: {  	v21 =	vshll.u32 v62, $0x3;
	v31 =	vand.u32 $0x400, v61;
	v61 =	vshrl.u32 v38, $0x1  }
0x2d0: {  	v11 =	vor.u32 v24, v13;
	v13 =	vor.u32 v18, v15;
	v24 =	vand.u32 $0x400, v41  }
0x2d1: {  	v15 =	vand.u32 $0x87F, v12;
	v18 =	vand.u32 $0x400, v43;
	v43 =	vand.u32 $0x87F, v46  }
0x2d2: {  	v21 =	vand.u32 $0x400, v21;
	v23 =	vadd.s32 $0x7, v23;
	v12 =	vor.u32 v24, v17  }
0x2d3: {  	[tilespmem:$0x0] =	vst v22;
	v17 =	vand.u32 $0x400, v58;
	v15 =	vor.u32 v25, v15;
	v58 =	vand.u32 $0x87F, v63  }
0x2d4: {  	[tilespmem:s11], [sflag:$0x1] =	stream.indirect_vreg.gather [hbm4b:s1+s0], $0x80, v28, vm0, $0xb8;
	v25 =	vshrl.u32 v62, $0x8;
	v48 =	vor.u32 v24, v26;
	v28 =	vshll.u32 v23, $0x7;
	[tilespmem:$0x12300] =	vst v63  }
0x2d5: {  	s31 =	simm.s32 $0x2B00;
	v57 =	vor.u32 v18, v42;
	v42 =	vand.u32 $0x380, v61;
	v35 =	vor.u32 v17, v15  }
0x2d6: {  	[tilespmem:s31], [sflag:$0x1] =	stream.indirect_vreg.gather [hbm4b:s1+s0], $0x80, v20, vm0, $0xb8;
	v15 =	vor.u32 v17, v19;
	v17 =	vadd.s32 s12, v5;
	v19 =	vshll.u32 v63, $0x3;
	[tilespmem:$0x12300] =	vst v63  }
0x2d7: {  	_ =	swait.ge [sflag:s14], $0x1000;
	v24 =	vadd.s32 $0x7, v25;
	v25 =	vshrl.u32 v63, $0x8;
	v41 =	vor.u32 v30, v58  }
0x2d8: {  	[sflag:s14] =	ssyncset.done $0x0;
	v28 =	vand.u32 $0x380, v28;
	v19 =	vand.u32 $0x400, v19;
	v26 =	vshll.u32 v24, $0x8  }
0x2d9: {  	[sflag:s14] =	ssyncadd.s32 $0xFFFFF000;
	v50 =	vadd.s32 $0x7, v25;
	v25 =	vshll.u32 v24, $0x7;
	v22 =	vand.u32 $0x7F, v17  }
0x2da: {  	v39 =	vld.idx.msk [tilespmem:v39+s11+$0x0], $0xffff;
	v30 =	vshrl.u32 v17, $0x1;
	v20 =	vshrl.u32 v17, $0x8;
	v33 =	vshll.u32 v17, $0x3  }
0x2db: {  	v56 =	vld.idx.msk [tilespmem:v29+s11+$0x0], $0xffff;
	v24 =	vand.u32 $0x7FFFF800, v26;
	v25 =	vand.u32 $0x380, v25;
	v27 =	vshll.u32 v50, $0x8  }
0x2dc: {  	v26 =	vand.u32 $0x7F, v62;
	v20 =	vadd.s32 $0x7, v20;
	v62 =	vshrl.u32 v40, $0x8  }
0x2dd: {  	v63 =	vshll.u32 v50, $0x7;
	v54 =	vshll.u32 v20, $0x8;
	v20 =	vshll.u32 v20, $0x7  }
0x2de: {  	v58 =	vld.idx.msk [tilespmem:v34+s11+$0x0], $0xffff;
	v34 =	vshll.u32 v46, $0x3;
	v27 =	vand.u32 $0x7FFFF800, v27;
	v60 =	vand.u32 $0x380, v20  }
0x2df: {  	v54 =	vand.u32 $0x7FFFF800, v54;
	v20 =	vor.u32 v19, v41;
	v22 =	vor.u32 v60, v22  }
0x2e0: {  	v41 =	vand.u32 $0x87F, v40;
	v39 =	vmax.f32 v56, v39;
	v29 =	vor.u32 v54, v22  }
0x2e1: {  	v22 =	vor.u32 v51, v36;
	v51 =	vshll.u32 v40, $0x3;
	v36 =	vshll.u32 v38, $0x3  }
0x2e2: {  	v35 =	vld.idx.msk [tilespmem:v35+s11+$0x0], $0xffff;
	v54 =	vadd.s32 $0x7, v62;
	v62 =	vadd.s32 $0x7, v55;
	v40 =	vand.u32 $0x380, v63  }
0x2e3: {  	v38 =	vand.u32 $0x87F, v38;
	v59 =	vor.u32 v31, v22;
	v22 =	vshrl.u32 v46, $0x1  }
0x2e4: {  	v60 =	vshll.u32 v54, $0x8;
	v63 =	vshll.u32 v62, $0x8;
	v50 =	vshll.u32 v62, $0x7  }
0x2e5: {  	v44 =	vor.u32 v40, v44;
	v40 =	vor.u32 v49, v52;
	v22 =	vand.u32 $0x380, v22  }
0x2e6: {  	v48 =	vld.idx.msk [tilespmem:v48+s11+$0x0], $0xffff;
	v61 =	vand.u32 $0x7FFFF800, v60;
	v62 =	vand.u32 $0x7FFFF800, v63;
	v63 =	vshll.u32 v53, $0x7  }
0x2e7: {  	v57 =	vld.idx.msk [tilespmem:v57+s11+$0x0], $0xffff;
	v22 =	vor.u32 v22, v43;
	v43 =	vshll.u32 v54, $0x7;
	v35 =	vmax.f32 v39, v35  }
0x2e8: {  	v43 =	vand.u32 $0x380, v43;
	v39 =	vand.u32 $0x7F, v46;
	v35 =	vmax.f32 v35, v58  }
0x2e9: {  	v43 =	vor.u32 v43, v47;
	v58 =	vand.u32 $0x380, v50;
	v47 =	vshll.u32 v53, $0x8  }
0x2ea: {  	s20 =	simm.s32 $0x80;
	v50 =	vand.u32 $0x380, v63;
	v60 =	vor.u32 v61, v43;
	v61 =	vor.u32 v58, v45  }
0x2eb: {  	s21 =	simm.s32 $0x10;
	s23 =	simm.s32 $0xE0;
	s19 =	sand.u32 $0x70, s0;
	v45 =	vand.u32 $0x400, v51;
	v48 =	vmax.f32 v35, v48;
	v37 =	vor.u32 v50, v37  }
0x2ec: {  	s22 =	sand.u32 $0x400, s0;
	s2 =	sand.u32 $0x400, s20;
	s0 =	sand.u32 $0x70, s21;
	v46 =	vld.idx.msk [tilespmem:v59+s11+$0x0], $0xffff;
	v43 =	vor.u32 v62, v61;
	v35 =	vor.u32 v45, v60;
	v48 =	vmax.f32 v48, v57  }
.LBB2_17:
0x2ed: {  	p1 =	sne.s32 s23, $0x690  }
0x2ee: {  	v40 =	vor.u32 v21, v40;
	v25 =	vor.u32 v25, v26;
	v26 =	vor.u32 v27, v44;
	s20 =	sadd.s32 $0x80, s20;
	s21 =	sadd.s32 $0x10, s21;
	s6 =	smov.u32 s23  }
0x2ef: {  	s23 =	sadd.s32 $0x70, s23;
	v27 =	vand.u32 $0x380, v30;
	v30 =	vor.u32 v42, v38;
	s7 =	sand.u32 $0x70, s21;
	s8 =	sand.u32 $0x400, s20;
	v24 =	vor.u32 v24, v25  }
0x2f0: {  	v25 =	vor.u32 v32, v41;
	v21 =	vor.u32 v21, v24;
	v24 =	vor.u32 v28, v39  }
0x2f1: {  	v19 =	vor.u32 v19, v26;
	v26 =	vand.u32 $0x7FFFF800, v16;
	v16 =	vshll.u32 v23, $0x8  }
0x2f2: {  	s24 =	sor.u32 s19, s22;
	s19 =	smov.u32 s0;
	v23 =	vmax.f32 v48, v46;
	v26 =	vor.u32 v26, v14;
	v28 =	vand.u32 $0x7FFFF800, v47;
	s0 =	smov.u32 s7;
	v14 =	vmovc v24  }
0x2f3: {  	s22 =	smov.u32 s2;
	s2 =	smov.u32 s8;
	v24 =	vand.u32 $0x400, v36;
	[tilespmem:s24+$0x10300] =	vst v23;
	v23 =	vor.u32 v18, v26;
	v18 =	vor.u32 v28, v37  }
0x2f4: {  	v17 =	vand.u32 $0x87F, v17;
	v26 =	vor.u32 v24, v43;
	v28 =	vor.u32 v31, v18  }
0x2f5: {  	v17 =	vor.u32 v27, v17;
	v36 =	vor.u32 v45, v25;
	v18 =	vand.u32 $0x400, v33  }
0x2f6: {  	v31 =	vadd.s32 s12, v9;
	s12 =	smov.u32 s6;
	v33 =	vor.u32 v18, v17;
	v25 =	vor.u32 v18, v29  }
0x2f7: {  	v18 =	vand.u32 $0x400, v34;
	v37 =	vand.u32 $0x7F, v31;
	v34 =	vand.u32 $0x87F, v31;
	v27 =	vld.idx.msk [tilespmem:v13+s11+$0x0], $0xffff;
	v13 =	vmovc v19  }
0x2f8: {  	v38 =	vadd.s32 s12, v7;
	v39 =	vadd.s32 s12, v8;
	v29 =	vshll.u32 v31, $0x3;
	v32 =	vld.idx.msk [tilespmem:v11+s11+$0x0], $0xffff;
	v11 =	vmovc v21  }
0x2f9: {  	v17 =	vadd.s32 s12, v5;
	v44 =	vadd.s32 s12, v6;
	v45 =	vand.u32 $0x87F, v39;
	v41 =	vld.idx.msk [tilespmem:v15+s11+$0x0], $0xffff;
	v15 =	vmovc v25  }
0x2fa: {  	v42 =	vadd.s32 s12, v1;
	v46 =	vadd.s32 s12, v4;
	v43 =	vand.u32 $0x7F, v38;
	v25 =	vld.idx.msk [tilespmem:v10+s11+$0x0], $0xffff;
	v10 =	vmovc v35  }
0x2fb: {  	v19 =	vshll.u32 v46, $0x3;
	v21 =	vshrl.u32 v46, $0x1;
	v35 =	vshrl.u32 v39, $0x8;
	v47 =	vld.idx.msk [tilespmem:v12+s11+$0x0], $0xffff;
	v12 =	vmovc v26  }
0x2fc: {  	v49 =	vand.u32 $0x7F, v44;
	v19 =	vand.u32 $0x400, v19;
	v48 =	vand.u32 $0x380, v21  }
0x2fd: {  	v51 =	vor.u32 v24, v30;
	v50 =	vand.u32 $0x87F, v46;
	v21 =	vshll.u32 v42, $0x3;
	v30 =	vld.idx.msk [tilespmem:v23+s11+$0x0], $0xffff  }
0x2fe: {  	v52 =	vshrl.u32 v42, $0x1;
	v23 =	vshrl.u32 v42, $0x8;
	v24 =	vmax.f32 v32, v27;
	v28 =	vld.idx.msk [tilespmem:v28+s11+$0x0], $0xffff  }
0x2ff: {  	v21 =	vand.u32 $0x400, v21;
	v26 =	vshrl.u32 v46, $0x8;
	v24 =	vmax.f32 v24, v41  }
0x300: {  	v53 =	vadd.s32 $0x7, v26;
	v23 =	vadd.s32 $0x7, v23;
	v24 =	vmax.f32 v24, v25  }
0x301: {  	v25 =	vshll.u32 v23, $0x8;
	v23 =	vshll.u32 v23, $0x7;
	v27 =	vmax.f32 v24, v47  }
0x302: {  	v24 =	vand.u32 $0x7FFFF800, v25;
	v25 =	vand.u32 $0x380, v23;
	v23 =	vadd.s32 $0x7, v35  }
0x303: {  	v26 =	vand.u32 $0x7F, v42;
	v32 =	vshll.u32 v53, $0x8;
	v30 =	vmax.f32 v27, v30  }
0x304: {  	v35 =	vand.u32 $0x7F, v17;
	v27 =	vand.u32 $0x7FFFF800, v32;
	v28 =	vmax.f32 v30, v28  }
0x305: {  	v41 =	vor.u32 v48, v50;
	v32 =	vshll.u32 v23, $0x7;
	v30 =	vshrl.u32 v17, $0x1;
	[tilespmem:s24+$0x10380] =	vst v28  }
0x306: {  	v48 =	vshrl.u32 v44, $0x1;
	v47 =	vand.u32 $0x380, v52;
	v28 =	vand.u32 $0x380, v32  }
0x307: {  	v54 =	vshrl.u32 v31, $0x8;
	v50 =	vshrl.u32 v17, $0x8;
	v52 =	vand.u32 $0x87F, v42  }
0x308: {  	v42 =	vadd.s32 $0x7, v50;
	v32 =	vand.u32 $0x380, v48;
	v48 =	vshrl.u32 v31, $0x1  }
0x309: {  	v50 =	vshll.u32 v42, $0x8;
	v42 =	vshll.u32 v42, $0x7;
	v31 =	vand.u32 $0x400, v29;
	v55 =	vld.idx.msk [tilespmem:v33+s11+$0x0], $0xffff  }
0x30a: {  	v29 =	vand.u32 $0x7FFFF800, v50;
	v33 =	vand.u32 $0x380, v42;
	v42 =	vand.u32 $0x380, v48;
	v50 =	vld.idx.msk [tilespmem:v20+s11+$0x0], $0xffff  }
0x30b: {  	v48 =	vshrl.u32 v38, $0x8;
	v20 =	vor.u32 v19, v41;
	v35 =	vor.u32 v33, v35;
	v40 =	vld.idx.msk [tilespmem:v40+s11+$0x0], $0xffff  }
0x30c: {  	v33 =	vshll.u32 v17, $0x3;
	v34 =	vor.u32 v42, v34;
	v29 =	vor.u32 v29, v35  }
0x30d: {  	v57 =	vor.u32 v18, v22;
	v42 =	vshrl.u32 v38, $0x1;
	v35 =	vshll.u32 v44, $0x3;
	v56 =	vld.idx.msk [tilespmem:v36+s11+$0x0], $0xffff  }
0x30e: {  	v41 =	vand.u32 $0x87F, v44;
	v58 =	vor.u32 v31, v34;
	v36 =	vshll.u32 v38, $0x3  }
0x30f: {  	v59 =	vand.u32 $0x7F, v46;
	v22 =	vshrl.u32 v39, $0x1;
	v42 =	vand.u32 $0x380, v42  }
0x310: {  	v22 =	vand.u32 $0x380, v22;
	v34 =	vshrl.u32 v44, $0x8;
	v44 =	vshll.u32 v53, $0x7  }
0x311: {  	v22 =	vor.u32 v22, v45;
	v45 =	vadd.s32 $0x7, v34;
	v40 =	vmax.f32 v40, v50  }
0x312: {  	v34 =	vshll.u32 v39, $0x3;
	v46 =	vshll.u32 v45, $0x8;
	v40 =	vmax.f32 v40, v55  }
0x313: {  	v48 =	vadd.s32 $0x7, v48;
	v50 =	vand.u32 $0x7FFFF800, v46;
	v53 =	vmax.f32 v40, v56;
	v46 =	vld.idx.msk [tilespmem:v58+s11+$0x0], $0xffff  }
0x314: {  	v40 =	vand.u32 $0x380, v44;
	v44 =	vshll.u32 v45, $0x7;
	v45 =	vshll.u32 v48, $0x8;
	v51 =	vld.idx.msk [tilespmem:v51+s11+$0x0], $0xffff  }
0x315: {  	v54 =	vadd.s32 $0x7, v54;
	v48 =	vshll.u32 v48, $0x7;
	v55 =	vand.u32 $0x380, v44;
	v56 =	vld.idx.msk [tilespmem:v57+s11+$0x0], $0xffff  }
0x316: {  	v44 =	vor.u32 v40, v59;
	v48 =	vand.u32 $0x380, v48;
	v49 =	vor.u32 v55, v49  }
.Ltmp11:
0x317: {  	v40 =	vor.u32 v47, v52;
	v43 =	vor.u32 v48, v43;
	v49 =	vor.u32 v50, v49;
	(pc) =	sbr.rel @p1 .LBB2_17-.Ltmp11, $4  }
0x318: {  	v47 =	vshll.u32 v54, $0x8;
	v48 =	vand.u32 $0x7FFFF800, v45;
	v50 =	vshll.u32 v54, $0x7  }
0x319: {  	v45 =	vand.u32 $0x400, v35;
	v43 =	vor.u32 v48, v43;
	v35 =	vand.u32 $0x380, v50  }
0x31a: {  	v39 =	vand.u32 $0x7F, v39;
	v37 =	vor.u32 v35, v37;
	v48 =	vmax.f32 v53, v51  }
0x31b: {  	v38 =	vand.u32 $0x87F, v38;
	v35 =	vor.u32 v45, v49;
	v48 =	vmax.f32 v48, v56  }
0x31c: {  	_ =	sdelay $0x1  }
0x31d: {  	v16 =	vand.u32 $0x7FFFF800, v16;
	v46 =	vmax.f32 v48, v46;
	s6 =	sor.u32 s19, s22  }
0x31e: {  	v58 =	vand.u32 $0x7FFFF800, v47;
	v14 =	vor.u32 v16, v14;
	[tilespmem:s6+$0x10300] =	vst v46  }
0x31f: {  	v16 =	vor.u32 v58, v37;
	v14 =	vor.u32 v18, v14;
	v13 =	vld.idx.msk [tilespmem:v13+s11+$0x0], $0xffff  }
0x320: {  	v16 =	vor.u32 v31, v16;
	v11 =	vld.idx.msk [tilespmem:v11+s11+$0x0], $0xffff  }
0x321: {  	v15 =	vld.idx.msk [tilespmem:v15+s11+$0x0], $0xffff  }
0x322: {  	v10 =	vld.idx.msk [tilespmem:v10+s11+$0x0], $0xffff  }
0x323: {  	v12 =	vld.idx.msk [tilespmem:v12+s11+$0x0], $0xffff  }
0x324: {  	v59 =	vor.u32 v21, v40;
	v30 =	vand.u32 $0x380, v30;
	v14 =	vld.idx.msk [tilespmem:v14+s11+$0x0], $0xffff  }
0x325: {  	v60 =	vor.u32 v42, v38;
	v32 =	vor.u32 v32, v41;
	v11 =	vmax.f32 v11, v13;
	v61 =	vld.idx.msk [tilespmem:v16+s11+$0x0], $0xffff  }
0x326: {  	v62 =	vand.u32 $0x400, v36;
	v17 =	vand.u32 $0x87F, v17;
	v11 =	vmax.f32 v11, v15  }
0x327: {  	v63 =	vand.u32 $0x400, v33;
	v36 =	vadd.s32 s12, v9;
	v10 =	vmax.f32 v11, v10  }
0x328: {  	v38 =	vand.u32 $0x400, v34;
	v17 =	vor.u32 v30, v17;
	v10 =	vmax.f32 v10, v12  }
0x329: {  	v40 =	vand.u32 $0x87F, v36;
	v37 =	vor.u32 v63, v17;
	v10 =	vmax.f32 v10, v14  }
0x32a: {  	v41 =	vshrl.u32 v36, $0x1;
	v11 =	vor.u32 v45, v32;
	v10 =	vmax.f32 v10, v61  }
0x32b: {  	v42 =	vshll.u32 v36, $0x3;
	v31 =	vor.u32 v62, v60;
	[tilespmem:s6+$0x10380] =	vst v10;
	v10 =	vand.u32 $0x380, v41  }
0x32c: {  	v46 =	vor.u32 v38, v22;
	v45 =	vand.u32 $0x400, v42;
	v20 =	vld.idx.msk [tilespmem:v20+s11+$0x0], $0xffff;
	v10 =	vor.u32 v10, v40  }
0x32d: {  	v18 =	vld.idx.msk [tilespmem:v59+s11+$0x0], $0xffff;
	v10 =	vor.u32 v45, v10  }
0x32e: {  	v12 =	vld.idx.msk [tilespmem:v37+s11+$0x0], $0xffff  }
0x32f: {  	v11 =	vld.idx.msk [tilespmem:v11+s11+$0x0], $0xffff  }
0x330: {  	v47 =	vor.u32 v25, v26;
	v48 =	vld.idx.msk [tilespmem:v31+s11+$0x0], $0xffff  }
0x331: {  	v49 =	vor.u32 v27, v44;
	v51 =	vor.u32 v28, v39;
	v52 =	vshll.u32 v23, $0x8;
	v14 =	vld.idx.msk [tilespmem:v46+s11+$0x0], $0xffff  }
0x332: {  	v22 =	vor.u32 v24, v47;
	v19 =	vor.u32 v19, v49;
	v18 =	vmax.f32 v18, v20;
	v10 =	vld.idx.msk [tilespmem:v10+s11+$0x0], $0xffff  }
0x333: {  	v53 =	vshrl.u32 v36, $0x8;
	v54 =	vand.u32 $0x7F, v36;
	v12 =	vmax.f32 v18, v12  }
0x334: {  	v57 =	vand.u32 $0x7FFFF800, v52;
	v50 =	vor.u32 v21, v22;
	v11 =	vmax.f32 v12, v11  }
0x335: {  	v15 =	vor.u32 v63, v29;
	v18 =	vadd.s32 $0x7, v53;
	v11 =	vmax.f32 v11, v48  }
0x336: {  	v55 =	vshll.u32 v18, $0x8;
	v18 =	vshll.u32 v18, $0x7;
	v11 =	vmax.f32 v11, v14  }
0x337: {  	s0 =	sor.u32 s0, s2;
	v58 =	vor.u32 v57, v51;
	v56 =	vand.u32 $0x380, v18;
	v10 =	vmax.f32 v11, v10  }
0x338: {  	v16 =	vor.u32 v62, v43;
	v59 =	vand.u32 $0x7FFFF800, v55;
	v11 =	vor.u32 v56, v54;
	[tilespmem:s0+$0x10300] =	vst v10  }
0x339: {  	v10 =	vor.u32 v38, v58;
	v11 =	vor.u32 v59, v11;
	v60 =	vld.idx.msk [tilespmem:v19+s11+$0x0], $0xffff  }
0x33a: {  	v11 =	vor.u32 v45, v11;
	v61 =	vld.idx.msk [tilespmem:v50+s11+$0x0], $0xffff  }
0x33b: {  	v62 =	vld.idx.msk [tilespmem:v15+s11+$0x0], $0xffff  }
0x33c: {  	v63 =	vld.idx.msk [tilespmem:v35+s11+$0x0], $0xffff  }
0x33d: {  	v16 =	vld.idx.msk [tilespmem:v16+s11+$0x0], $0xffff  }
0x33e: {  	v10 =	vld.idx.msk [tilespmem:v10+s11+$0x0], $0xffff  }
0x33f: {  	v12 =	vmax.f32 v61, v60;
	v11 =	vld.idx.msk [tilespmem:v11+s11+$0x0], $0xffff  }
0x340: {  	v12 =	vmax.f32 v12, v62  }
0x341: {  	v12 =	vmax.f32 v12, v63  }
0x342: {  	v12 =	vmax.f32 v12, v16  }
0x343: {  	v10 =	vmax.f32 v12, v10  }
0x344: {  	v10 =	vmax.f32 v10, v11  }
0x345: {  	s29 =	rddreg [dreg:$0x6];
	s30 =	simm.s32 $0x10700;
	[tilespmem:s0+$0x10380] =	vst v10  }
0x346: {  	[hbm4b:s29+s4] =	stream.linear.scatter [tilespmem:s15], [sflag:$0x5], $0x100, $0x38;
	[tilespmem:$0x12300] =	vst v63  }
.Ltmp12:
0x347: {  	s31 =	simm.s32 $0x5;
	s0 =	sadd.s32 $0x80, s29;
	(pc) =	sbr.rel .LBB2_19-.Ltmp12, $4  }
0x348: {  	[hbm4b:s0+s4] =	stream.linear.scatter [tilespmem:s30], [sflag:$0x5], $0x100, $0x38;
	[tilespmem:$0x12300] =	vst v63  }
0x349: {  	_ =	swait.ge [sflag:s31], $0x200  }
0x34a: {  	[sflag:s31] =	ssyncset.done $0x0  }
0x34b: {  	s2 =	rddreg [dreg:$0x8];
	[sflag:s31] =	ssyncadd.s32 $0xFFFFFE00  }
.LBB2_20:
0x34c: {  	_ =	sfence.sel $0x180000  }
0x34d: {  	[bflag:$0x0] =	sbarrier.arrive $0xFFFF  }
0x34e: {  	_ =	strace $0x90000047  }
0x34f: {  	s0 =	stileid.u32;
	[bflag:$0x2] =	sbarrier.arrive $0xFFFF  }
0x350: {  	p0 =	sne.s32 s0, $0x0;
	s0 =	rddreg [dreg:$0x3]  }
0x351: {  	s0 =	sadd.s32 @!p0 $0x100000, s0  }
0x352: {  	[sflag:s0] =	ssyncadd.tile.s32 @!p0 $0x1;
	_ =	shalt  }
.Lfunc_end2:
_tile_overlayer_lowered:
.L_overlay_start_2:
0x353: {  	(tag) =	ssettag $0x2  }
0x354: {  	s0 =	rddreg [dreg:$0x0];
	s2 =	stileid.u32  }
0x355: {  	s1 =	rddreg [dreg:$0x1];
	p0 =	sne.s32 s2, $0x0  }
0x356: {  	s3 =	rddreg [dreg:$0x2];
	[bflag:$0x3] =	sbarrier.arrive $0xFFFF;
	s2 =	simm.s32 @!p0 $0x1C05  }
0x357: {  	[timem:s3], [sflag:s2] =	dma.local @!p0 [hbm:s0], s1  }
0x358: {  	s0 =	simm.s32 @!p0 $0x5  }
0x359: {  	_ =	swait.ge @!p0 [sflag:s0], s1  }
0x35a: {  	s1 =	ssub.s32 @!p0 $0x0, s1;
	[sflag:s0] =	ssyncset.done @!p0 $0x0  }
0x35b: {  	[sflag:s0] =	ssyncadd.s32 @!p0 s1  }
0x35c: {  	[bflag:$0x3] =	sbarrier.arrive $0xFFFF  }
0x35d: {  	_ =	shalt  }

</sc_bundles>
